<compile_context>
chip_gen: v7x
topology: tpu7x:2x2x1
jax: 0.10.2.dev20260603
libtpu: 0.0.44.dev20260713+nightly
codegen_flags: <defaults>
</compile_context>

<pallas_src>
import functools

import jax
import jax.numpy as jnp
import numpy as np
from jax import lax
from jax.experimental import pallas as pl
from jax.experimental.pallas import tpu as pltpu
from jax.experimental.pallas import tpu_sc as plsc

K = 16
QCHUNK = 1024
PSLICE = 1024
TOPB = 2
QBLK = 64
NW = 32


def _ceil_to(v, m):
    return ((v + m - 1) // m) * m


def _chunk_of(per_w):
    for c in range(128, 0, -8):
        if per_w % c == 0:
            return c
    return per_w


def _sc_row_gather(n_rows, d, n_idx, dtype):
    per_w = n_idx // NW
    chk = _chunk_of(per_w)
    n_loops = per_w // chk
    mesh = plsc.VectorSubcoreMesh(core_axis_name="c", subcore_axis_name="s")

    @functools.partial(
        pl.kernel,
        mesh=mesh,
        compiler_params=pltpu.CompilerParams(use_tc_tiling_on_sc=False),
        out_type=jax.ShapeDtypeStruct((n_idx, d), dtype),
        scratch_types=[
            pltpu.VMEM((chk,), jnp.int32),
            pltpu.VMEM((chk, d), dtype),
            pltpu.SemaphoreType.DMA,
        ],
    )
    def gather_k(table_hbm, idx_hbm, out_hbm, idx_v, rows_v, sem):
        wid = lax.axis_index("s") * 2 + lax.axis_index("c")
        base = wid * per_w

        def body(j, carry):
            off = base + j * chk
            pltpu.sync_copy(idx_hbm.at[pl.ds(off, chk)], idx_v)
            pltpu.async_copy(table_hbm.at[idx_v], rows_v, sem).wait()
            pltpu.sync_copy(rows_v, out_hbm.at[pl.ds(off, chk)])
            return carry

        lax.fori_loop(0, n_loops, body, 0)

    return gather_k


def _sc_edge_gather(n_rows, d1, d2, n_idx):
    per_w = n_idx // NW
    chk = _chunk_of(per_w)
    n_loops = per_w // chk
    mesh = plsc.VectorSubcoreMesh(core_axis_name="c", subcore_axis_name="s")

    @functools.partial(
        pl.kernel,
        mesh=mesh,
        compiler_params=pltpu.CompilerParams(use_tc_tiling_on_sc=False),
        out_type=(
            jax.ShapeDtypeStruct((n_idx, d1), jnp.float32),
            jax.ShapeDtypeStruct((n_idx, d2), jnp.float32),
        ),
        scratch_types=[
            pltpu.VMEM((chk,), jnp.int32),
            pltpu.VMEM((chk, d1), jnp.float32),
            pltpu.VMEM((chk, d2), jnp.float32),
            pltpu.SemaphoreType.DMA,
            pltpu.SemaphoreType.DMA,
        ],
    )
    def gather_k(t1_hbm, t2_hbm, idx_hbm, o1_hbm, o2_hbm,
                 idx_v, r1_v, r2_v, sem1, sem2):
        wid = lax.axis_index("s") * 2 + lax.axis_index("c")
        base = wid * per_w

        def body(j, carry):
            off = base + j * chk
            pltpu.sync_copy(idx_hbm.at[pl.ds(off, chk)], idx_v)
            cp1 = pltpu.async_copy(t1_hbm.at[idx_v], r1_v, sem1)
            cp2 = pltpu.async_copy(t2_hbm.at[idx_v], r2_v, sem2)
            cp1.wait()
            cp2.wait()
            pltpu.sync_copy(r1_v, o1_hbm.at[pl.ds(off, chk)])
            pltpu.sync_copy(r2_v, o2_hbm.at[pl.ds(off, chk)])
            return carry

        lax.fori_loop(0, n_loops, body, 0)

    return gather_k


def _knn_body(n_groups, n_cand, posq_ref, posb_ref, pn_ref, nbr_ref, top_ref):
    qp = posq_ref[...]
    qn = jnp.sum(qp * qp, axis=1, keepdims=True)
    qpb = qp.astype(jnp.bfloat16)
    imax = jnp.int32(0x7FFFFFFF)

    for r in range(TOPB):
        top_ref[r] = jnp.full((QCHUNK, PSLICE), imax, jnp.int32)

    def g_body(g, carry):
        dsb = posb_ref[pl.ds(g * PSLICE, PSLICE), :]
        dot = lax.dot_general(
            qpb, dsb, (((1,), (1,)), ((), ())),
            preferred_element_type=jnp.float32,
        )
        d2 = (qn + pn_ref[pl.ds(g, 1), :]) - 2.0 * dot
        bits = lax.bitcast_convert_type(d2, jnp.int32)
        key = (bits & jnp.int32(~63)) | g.astype(jnp.int32)
        a1, a2 = top_ref[0], top_ref[1]
        t = jnp.maximum(a1, key)
        top_ref[0] = jnp.minimum(a1, key)
        top_ref[1] = jnp.minimum(a2, t)
        return carry

    lax.fori_loop(0, n_groups, g_body, 0)

    lane_b = lax.broadcasted_iota(jnp.int32, (QCHUNK, PSLICE), 1)
    lane16 = lax.broadcasted_iota(jnp.int32, (QCHUNK, K), 1)

    def e_body(k, carry):
        ws, n1, nbr = carry
        m = jnp.min(ws, axis=1, keepdims=True)
        j = jnp.min(jnp.where(ws == m, lane_b, PSLICE), axis=1, keepdims=True)
        sel = lane_b == j
        ws = jnp.where(sel, n1, ws)
        n1 = jnp.where(sel, imax, n1)
        point = (m & 63) * PSLICE + j
        nbr = jnp.where(lane16 == k, point, nbr)
        return ws, n1, nbr

    _, _, nbr = lax.fori_loop(
        0, K, e_body,
        (top_ref[0], top_ref[1], jnp.zeros((QCHUNK, K), jnp.int32)),
    )
    nbr_ref[...] = nbr


def _knn_call(posq16, posb, pnr, mp, np_pad):
    n_groups = np_pad // PSLICE
    n_cand = TOPB * PSLICE
    grid = mp // QCHUNK
    return pl.pallas_call(
        functools.partial(_knn_body, n_groups, n_cand),
        grid=(grid,),
        in_specs=[
            pl.BlockSpec((QCHUNK, 16), lambda i: (i, 0)),
            pl.BlockSpec((np_pad, 16), lambda i: (0, 0)),
            pl.BlockSpec((n_groups, PSLICE), lambda i: (0, 0)),
        ],
        out_specs=pl.BlockSpec((QCHUNK, K), lambda i: (i, 0)),
        out_shape=jax.ShapeDtypeStruct((mp, K), jnp.int32),
        scratch_shapes=[pltpu.VMEM((TOPB, QCHUNK, PSLICE), jnp.int32)],
    )(posq16, posb, pnr)


def _msg_body(xj_ref, pj_ref, pq_ref, rmat_ref, pmat_ref, a_ref, b_ref,
              wpb_ref, watt_ref, batt_ref, wglob_ref, bglob_ref, out_ref):
    eb = QBLK * K
    pj = pj_ref[...]
    pq = pq_ref[...]
    rmat = rmat_ref[...]
    pos_i = jnp.dot(rmat, pq, preferred_element_type=jnp.float32)
    vij = pos_i - pj
    d2 = jnp.sum(vij * vij, axis=1, keepdims=True)
    dij = jnp.sqrt(d2 + 1e-12)
    w4 = wpb_ref[0:1, :]
    bpos = wpb_ref[1:2, :]
    rij = (
        jnp.dot(pos_i, a_ref[...], preferred_element_type=jnp.float32)
        + jnp.dot(pj, b_ref[...], preferred_element_type=jnp.float32)
        + dij * w4
        + bpos
    )
    fij = jnp.concatenate([xj_ref[...], rij], axis=1)
    g = jnp.dot(fij, watt_ref[...], preferred_element_type=jnp.float32)
    g = g + batt_ref[0:1, :]
    m = jnp.max(g, axis=1, keepdims=True)
    e = jnp.exp(g - m)
    s = e / jnp.sum(e, axis=1, keepdims=True)
    msg = s * fij
    aggr = jnp.dot(pmat_ref[...], msg, preferred_element_type=jnp.float32)
    out = jnp.dot(aggr, wglob_ref[...], preferred_element_type=jnp.float32)
    out_ref[...] = out + bglob_ref[0:1, :]


def _msg_call(xj, pj, pq, rmat, pmat, a16, b16, wpb, watt, battp, wglob,
              bglobp, mp, d_feat, d_f, d_out):
    eb = QBLK * K
    grid = mp // QBLK
    full = lambda shape: pl.BlockSpec(shape, lambda i: tuple(0 for _ in shape))
    return pl.pallas_call(
        _msg_body,
        grid=(grid,),
        in_specs=[
            pl.BlockSpec((eb, d_feat), lambda i: (i, 0)),
            pl.BlockSpec((eb, 16), lambda i: (i, 0)),
            pl.BlockSpec((QBLK, 16), lambda i: (i, 0)),
            full((eb, QBLK)),
            full((QBLK, eb)),
            full((16, 64)),
            full((16, 64)),
            full((8, 64)),
            full((d_f, d_f)),
            full((8, d_f)),
            full((d_f, d_out)),
            full((8, d_out)),
        ],
        out_specs=pl.BlockSpec((QBLK, d_out), lambda i: (i, 0)),
        out_shape=jax.ShapeDtypeStruct((mp, d_out), jnp.float32),
    )(xj, pj, pq, rmat, pmat, a16, b16, wpb, watt, battp, wglob, bglobp)


def kernel(x, pos, batch, W_pos, b_pos, W_att, b_att, W_glob, b_glob):
    n, d_feat = x.shape
    m = n // 4
    d_r = W_pos.shape[1]
    d_f = d_feat + d_r
    d_out = W_glob.shape[1]

    np_pad = _ceil_to(n, PSLICE)
    mp = _ceil_to(m, QCHUNK)
    e_pad = mp * K

    idx = jax.random.randint(jax.random.key(42), (m,), 0, n)
    idx_p = jnp.concatenate([idx, jnp.zeros((mp - m,), jnp.int32)])

    pos16 = jnp.concatenate([pos, jnp.zeros((n, 13), jnp.float32)], axis=1)
    pad_rows = jnp.concatenate(
        [
            jnp.full((np_pad - n, 1), 1e18, jnp.float32),
            jnp.zeros((np_pad - n, 15), jnp.float32),
        ],
        axis=1,
    )
    pos16 = jnp.concatenate([pos16, pad_rows], axis=0)

    posq16 = _sc_row_gather(np_pad, 16, mp, jnp.float32)(pos16, idx_p)

    pnr = jnp.sum(pos16 * pos16, axis=1).reshape(np_pad // PSLICE, PSLICE)
    posb = pos16.astype(jnp.bfloat16)
    nbr = _knn_call(posq16, posb, pnr, mp, np_pad)
    nbr_flat = jnp.minimum(nbr.reshape(e_pad), n - 1)

    xj, pj = _sc_edge_gather(np_pad, d_feat, 16, e_pad)(
        jnp.concatenate([x, jnp.zeros((np_pad - n, d_feat), x.dtype)]),
        pos16, nbr_flat)

    rep = np.zeros((QBLK * K, QBLK), np.float32)
    rep[np.arange(QBLK * K), np.arange(QBLK * K) // K] = 1.0
    rmat = jnp.asarray(rep)
    pmat = jnp.asarray(rep.T / K)

    a16 = jnp.zeros((16, d_r), jnp.float32).at[:3].set(W_pos[0:3] + W_pos[6:9])
    b16 = jnp.zeros((16, d_r), jnp.float32).at[:3].set(W_pos[3:6] - W_pos[6:9])
    wpb = jnp.zeros((8, d_r), jnp.float32).at[0].set(W_pos[9]).at[1].set(b_pos)
    battp = jnp.zeros((8, d_f), jnp.float32).at[0].set(b_att)
    bglobp = jnp.zeros((8, d_out), jnp.float32).at[0].set(b_glob)

    out = _msg_call(xj, pj, posq16, rmat, pmat, a16, b16, wpb, W_att, battp,
                    W_glob, bglobp, mp, d_feat, d_f, d_out)
    return out[:m]

# --- scband reference (transcript-rebuilt; emitter-appended) ---
"""Pipeline reference for scband-rand-lanet-37065567764909 (READ-ONLY COPY).

The authoritative reference and input builder live on the scoring server;
editing this copy changes nothing except your own understanding.
"""

import jax, jax.numpy as jnp
import numpy as np

N = 50000        # total points
D_FEAT = 128     # input feature dim
RATIO = 0.25
K = 16           # knn neighbors
M = int(N * RATIO)   # 12500 sampled points
D_R = 64         # point_pos_nn output dim
D_F = D_FEAT + D_R   # 192, fij_hat dim
D_OUT = 256      # global_nn (down_conv_nn) output dim
CHUNK = 500      # query chunk size for knn (25 chunks)


def setup_inputs(seed: int = 0) -> dict:
    key = jax.random.key(seed)
    ks = jax.random.split(key, 8)
    x = jax.random.normal(ks[0], (N, D_FEAT), dtype=jnp.float32)
    pos = jax.random.normal(ks[1], (N, 3), dtype=jnp.float32)
    batch = jnp.zeros((N,), dtype=jnp.int32)  # single point cloud
    # point_pos_nn: Linear(10 -> D_R); input = [pos_i, pos_j, vij, dij] -> 3+3+3+1 = 10
    W_pos = jax.random.normal(ks[2], (10, D_R), dtype=jnp.float32) * (1.0 / np.sqrt(10.0))
    b_pos = jnp.zeros((D_R,), dtype=jnp.float32)
    # attention_nn: Linear(D_F -> D_F)
    W_att = jax.random.normal(ks[3], (D_F, D_F), dtype=jnp.float32) * (1.0 / np.sqrt(D_F))
    b_att = jnp.zeros((D_F,), dtype=jnp.float32)
    # global_nn (down_conv_nn): Linear(D_F -> D_OUT)
    W_glob = jax.random.normal(ks[4], (D_F, D_OUT), dtype=jnp.float32) * (1.0 / np.sqrt(D_F))
    b_glob = jnp.zeros((D_OUT,), dtype=jnp.float32)
    return {"x": x, "pos": pos, "batch": batch,
            "W_pos": W_pos, "b_pos": b_pos,
            "W_att": W_att, "b_att": b_att,
            "W_glob": W_glob, "b_glob": b_glob}


def reference(x, pos, batch, W_pos, b_pos, W_att, b_att, W_glob, b_glob):
    # --- random subsampling (torch.randint equivalent, fixed key for determinism) ---
    idx = jax.random.randint(jax.random.key(42), (M,), 0, N)
    pos_q = pos[idx]          # [M, 3] sampled target positions
    batch_q = batch[idx]      # [M]

    # --- knn(pos, pos[idx], k, batch, batch[idx]) : for each sampled point, K nearest in full set ---
    pn = jnp.sum(pos * pos, axis=1)             # [N]
    qp = pos_q.reshape(M // CHUNK, CHUNK, 3)
    qb = batch_q.reshape(M // CHUNK, CHUNK)

    def knn_chunk(args):
        qpc, qbc = args
        qn = jnp.sum(qpc * qpc, axis=1)                              # [C]
        d2 = qn[:, None] + pn[None, :] - 2.0 * (qpc @ pos.T)         # [C, N]
        d2 = jnp.where(qbc[:, None] != batch[None, :], jnp.inf, d2)  # batch masking
        _, nidx = jax.lax.top_k(-d2, K)                              # [C, K]
        return nidx

    nbr = jax.lax.map(knn_chunk, (qp, qb)).reshape(M, K)   # [M, K] neighbor idx into full set

    # --- message: Local Spatial Encoding + Attentive Pooling ---
    pos_i = jnp.broadcast_to(pos_q[:, None, :], (M, K, 3))  # target pos per edge
    pos_j = pos[nbr]                                        # [M, K, 3] neighbor (source) pos
    x_j = x[nbr]                                            # [M, K, D_FEAT]
    vij = pos_i - pos_j                                     # [M, K, 3]
    dij = jnp.sqrt(jnp.sum(vij * vij, axis=-1, keepdims=True) + 1e-12)  # [M, K, 1]
    relPointPos = jnp.concatenate([pos_i, pos_j, vij, dij], axis=-1)    # [M, K, 10]
    rij = relPointPos @ W_pos + b_pos                       # [M, K, D_R]
    fij_hat = jnp.concatenate([x_j, rij], axis=-1)          # [M, K, D_F]
    g_fij = fij_hat @ W_att + b_att                         # [M, K, D_F]
    s_ij = jax.nn.softmax(g_fij, axis=-1)                   # attentive pooling scores
    msg = s_ij * fij_hat                                    # [M, K, D_F]

    # --- aggr='mean' over the K incoming edges per target ---
    aggr_out = jnp.mean(msg, axis=1)                        # [M, D_F]

    # --- update: global_nn ---
    x_out = aggr_out @ W_glob + b_glob                      # [M, D_OUT]
    return x_out

if __name__ == "__main__":
    import jax
    _d = setup_inputs()
    print(jax.jit(kernel)(*tuple(_d.values())))

</pallas_src>

<mosaic_0001>
#map = affine_map<(d0, d1) -> (0, 0)>
#map1 = affine_map<(d0, d1) -> (0)>
module attributes {stable_mosaic.version = 14 : i64} {
  func.func @gather_k(%arg0: i32, %arg1: i32, %arg2: memref<50176x128xf32, #tpu.memory_space<hbm>>, %arg3: memref<50176x16xf32, #tpu.memory_space<hbm>>, %arg4: memref<212992xi32, #tpu.memory_space<hbm>>, %arg5: memref<212992x128xf32, #tpu.memory_space<hbm>>, %arg6: memref<212992x16xf32, #tpu.memory_space<hbm>>, %arg7: memref<128xi32, #tpu.memory_space<vmem>>, %arg8: memref<128x128xf32, #tpu.memory_space<vmem>>, %arg9: memref<128x16xf32, #tpu.memory_space<vmem>>, %arg10: memref<!tpu.dma_semaphore, #tpu.memory_space<semaphore_mem>>, %arg11: memref<!tpu.dma_semaphore, #tpu.memory_space<semaphore_mem>>) attributes {dimension_semantics = [#tpu.dimension_semantics<core_parallel>, #tpu.dimension_semantics<subcore_parallel>], iteration_bounds = array<i64: 2, 16>, scalar_prefetch = 0 : i64, scratch_operands = 5 : i64, tpu.core_type = #tpu.core_type<sc_vector_subcore>, window_params = [{transform_indices = #map}, {transform_indices = #map}, {transform_indices = #map1}, {transform_indices = #map}, {transform_indices = #map}]} {
    %mul3A = arith.constant 2 : i32
    %mul3A_0 = arith.muli %arg1, %mul3A : i32
    %add3A = arith.addi %mul3A_0, %arg0 : i32
    %mul3A_1 = arith.constant 6656 : i32
    %mul3A_2 = arith.muli %add3A, %mul3A_1 : i32
    %scan3A = arith.constant 0 : i32
    %scan3A_3 = arith.constant 0 : i32
    %scan3A_4 = arith.constant 52 : i32
    %scan3A_5 = arith.addi %scan3A_3, %scan3A_4 : i32
    %scan3A_6 = arith.constant 1 : i32
    scf.for %scan3A_8 = %scan3A_3 to %scan3A_5 step %scan3A_6  : i32 {
      %mul3A_9 = arith.constant 128 : i32
      %mul3A_10 = arith.muli %scan3A_8, %mul3A_9 : i32
      %add3A_11 = arith.addi %mul3A_2, %mul3A_10 : i32
      "tpu.region"() ({
        %run_scoped3A = tpu.sem_alloc : memref<!tpu.dma_semaphore, #tpu.memory_space<semaphore_mem>>
        %dma_start3A_22 = tpu.memref_slice %arg4[%add3A_11] : memref<212992xi32, #tpu.memory_space<hbm>> -> memref<128xi32, #tpu.memory_space<hbm>>
        %dma_start3A_23 = tpu.memref_slice %arg4[%add3A_11] : memref<212992xi32, #tpu.memory_space<hbm>> -> memref<128xi32, #tpu.memory_space<hbm>>
        tpu.enqueue_dma source(%dma_start3A_23 : memref<128xi32, #tpu.memory_space<hbm>>) target(%arg7 : memref<128xi32, #tpu.memory_space<vmem>>) target_semaphore(%run_scoped3A : memref<!tpu.dma_semaphore, #tpu.memory_space<semaphore_mem>>)
        %dma_wait3A_24 = tpu.memref_slice %arg4[%add3A_11] : memref<212992xi32, #tpu.memory_space<hbm>> -> memref<128xi32, #tpu.memory_space<hbm>>
        %dma_wait3A_25 = tpu.memref_slice %arg4[%add3A_11] : memref<212992xi32, #tpu.memory_space<hbm>> -> memref<128xi32, #tpu.memory_space<hbm>>
        tpu.wait_dma2 semaphore(%run_scoped3A : memref<!tpu.dma_semaphore, #tpu.memory_space<semaphore_mem>>) src(%dma_wait3A_25 : memref<128xi32, #tpu.memory_space<hbm>>) dst(%arg7 : memref<128xi32, #tpu.memory_space<vmem>>)
        tpu.yield
      }) : () -> ()
      %dma_start3A = arith.constant 0 : i32
      %dma_start3A_12 = arith.constant 0 : i32
      %dma_start3A_13 = tpu.memref_slice %arg2[%dma_start3A, %dma_start3A_12] : memref<50176x128xf32, #tpu.memory_space<hbm>> -> memref<50176x128xf32, #tpu.memory_space<hbm>>
      tpu.enqueue_indirect_dma source(%dma_start3A_13 : memref<50176x128xf32, #tpu.memory_space<hbm>>) target(%arg8 : memref<128x128xf32, #tpu.memory_space<vmem>>) offsets(%arg7 : memref<128xi32, #tpu.memory_space<vmem>>) semaphore(%arg10 : memref<!tpu.dma_semaphore, #tpu.memory_space<semaphore_mem>>)
      %dma_start3A_14 = arith.constant 0 : i32
      %dma_start3A_15 = arith.constant 0 : i32
      %dma_start3A_16 = tpu.memref_slice %arg3[%dma_start3A_14, %dma_start3A_15] : memref<50176x16xf32, #tpu.memory_space<hbm>> -> memref<50176x16xf32, #tpu.memory_space<hbm>>
      tpu.enqueue_indirect_dma source(%dma_start3A_16 : memref<50176x16xf32, #tpu.memory_space<hbm>>) target(%arg9 : memref<128x16xf32, #tpu.memory_space<vmem>>) offsets(%arg7 : memref<128xi32, #tpu.memory_space<vmem>>) semaphore(%arg11 : memref<!tpu.dma_semaphore, #tpu.memory_space<semaphore_mem>>)
      %dma_wait3A = arith.constant 0 : i32
      %dma_wait3A_17 = arith.constant 0 : i32
      %dma_wait3A_18 = tpu.memref_slice %arg2[%dma_wait3A, %dma_wait3A_17] : memref<50176x128xf32, #tpu.memory_space<hbm>> -> memref<50176x128xf32, #tpu.memory_space<hbm>>
      tpu.wait_indirect_dma semaphore(%arg10 : memref<!tpu.dma_semaphore, #tpu.memory_space<semaphore_mem>>) src(%dma_wait3A_18 : memref<50176x128xf32, #tpu.memory_space<hbm>>) dst(%arg8 : memref<128x128xf32, #tpu.memory_space<vmem>>)
      %dma_wait3A_19 = arith.constant 0 : i32
      %dma_wait3A_20 = arith.constant 0 : i32
      %dma_wait3A_21 = tpu.memref_slice %arg3[%dma_wait3A_19, %dma_wait3A_20] : memref<50176x16xf32, #tpu.memory_space<hbm>> -> memref<50176x16xf32, #tpu.memory_space<hbm>>
      tpu.wait_indirect_dma semaphore(%arg11 : memref<!tpu.dma_semaphore, #tpu.memory_space<semaphore_mem>>) src(%dma_wait3A_21 : memref<50176x16xf32, #tpu.memory_space<hbm>>) dst(%arg9 : memref<128x16xf32, #tpu.memory_space<vmem>>)
      "tpu.region"() ({
        %run_scoped3A = tpu.sem_alloc : memref<!tpu.dma_semaphore, #tpu.memory_space<semaphore_mem>>
        %dma_start3A_22 = arith.constant 0 : i32
        %dma_start3A_23 = tpu.memref_slice %arg5[%add3A_11, %dma_start3A_22] : memref<212992x128xf32, #tpu.memory_space<hbm>> -> memref<128x128xf32, #tpu.memory_space<hbm>>
        %dma_start3A_24 = arith.constant 0 : i32
        %dma_start3A_25 = tpu.memref_slice %arg5[%add3A_11, %dma_start3A_24] : memref<212992x128xf32, #tpu.memory_space<hbm>> -> memref<128x128xf32, #tpu.memory_space<hbm>>
        tpu.enqueue_dma source(%arg8 : memref<128x128xf32, #tpu.memory_space<vmem>>) target(%dma_start3A_25 : memref<128x128xf32, #tpu.memory_space<hbm>>) target_semaphore(%run_scoped3A : memref<!tpu.dma_semaphore, #tpu.memory_space<semaphore_mem>>)
        %dma_wait3A_26 = arith.constant 0 : i32
        %dma_wait3A_27 = tpu.memref_slice %arg5[%add3A_11, %dma_wait3A_26] : memref<212992x128xf32, #tpu.memory_space<hbm>> -> memref<128x128xf32, #tpu.memory_space<hbm>>
        %dma_wait3A_28 = arith.constant 0 : i32
        %dma_wait3A_29 = tpu.memref_slice %arg5[%add3A_11, %dma_wait3A_28] : memref<212992x128xf32, #tpu.memory_space<hbm>> -> memref<128x128xf32, #tpu.memory_space<hbm>>
        tpu.wait_dma2 semaphore(%run_scoped3A : memref<!tpu.dma_semaphore, #tpu.memory_space<semaphore_mem>>) src(%arg8 : memref<128x128xf32, #tpu.memory_space<vmem>>) dst(%dma_wait3A_29 : memref<128x128xf32, #tpu.memory_space<hbm>>)
        tpu.yield
      }) : () -> ()
      "tpu.region"() ({
        %run_scoped3A = tpu.sem_alloc : memref<!tpu.dma_semaphore, #tpu.memory_space<semaphore_mem>>
        %dma_start3A_22 = arith.constant 0 : i32
        %dma_start3A_23 = tpu.memref_slice %arg6[%add3A_11, %dma_start3A_22] : memref<212992x16xf32, #tpu.memory_space<hbm>> -> memref<128x16xf32, #tpu.memory_space<hbm>>
        %dma_start3A_24 = arith.constant 0 : i32
        %dma_start3A_25 = tpu.memref_slice %arg6[%add3A_11, %dma_start3A_24] : memref<212992x16xf32, #tpu.memory_space<hbm>> -> memref<128x16xf32, #tpu.memory_space<hbm>>
        tpu.enqueue_dma source(%arg9 : memref<128x16xf32, #tpu.memory_space<vmem>>) target(%dma_start3A_25 : memref<128x16xf32, #tpu.memory_space<hbm>>) target_semaphore(%run_scoped3A : memref<!tpu.dma_semaphore, #tpu.memory_space<semaphore_mem>>)
        %dma_wait3A_26 = arith.constant 0 : i32
        %dma_wait3A_27 = tpu.memref_slice %arg6[%add3A_11, %dma_wait3A_26] : memref<212992x16xf32, #tpu.memory_space<hbm>> -> memref<128x16xf32, #tpu.memory_space<hbm>>
        %dma_wait3A_28 = arith.constant 0 : i32
        %dma_wait3A_29 = tpu.memref_slice %arg6[%add3A_11, %dma_wait3A_28] : memref<212992x16xf32, #tpu.memory_space<hbm>> -> memref<128x16xf32, #tpu.memory_space<hbm>>
        tpu.wait_dma2 semaphore(%run_scoped3A : memref<!tpu.dma_semaphore, #tpu.memory_space<semaphore_mem>>) src(%arg9 : memref<128x16xf32, #tpu.memory_space<vmem>>) dst(%dma_wait3A_29 : memref<128x16xf32, #tpu.memory_space<hbm>>)
        tpu.yield
      }) : () -> ()
    }
    %scan3A_7 = arith.constant 52 : i32
    return
  }
}

#map = affine_map<(d0, d1) -> (0, 0)>
#map1 = affine_map<(d0, d1) -> (0)>
module attributes {stable_mosaic.version = 14 : i64} {
  func.func @gather_k(%arg0: i32, %arg1: i32, %arg2: memref<50176x16xf32, #tpu.memory_space<hbm>>, %arg3: memref<13312xi32, #tpu.memory_space<hbm>>, %arg4: memref<13312x16xf32, #tpu.memory_space<hbm>>, %arg5: memref<104xi32, #tpu.memory_space<vmem>>, %arg6: memref<104x16xf32, #tpu.memory_space<vmem>>, %arg7: memref<!tpu.dma_semaphore, #tpu.memory_space<semaphore_mem>>) attributes {dimension_semantics = [#tpu.dimension_semantics<core_parallel>, #tpu.dimension_semantics<subcore_parallel>], iteration_bounds = array<i64: 2, 16>, scalar_prefetch = 0 : i64, scratch_operands = 3 : i64, tpu.core_type = #tpu.core_type<sc_vector_subcore>, window_params = [{transform_indices = #map}, {transform_indices = #map1}, {transform_indices = #map}]} {
    %mul3A = arith.constant 2 : i32
    %mul3A_0 = arith.muli %arg1, %mul3A : i32
    %add3A = arith.addi %mul3A_0, %arg0 : i32
    %mul3A_1 = arith.constant 416 : i32
    %mul3A_2 = arith.muli %add3A, %mul3A_1 : i32
    %scan3A = arith.constant 0 : i32
    %scan3A_3 = arith.constant 0 : i32
    %scan3A_4 = arith.constant 4 : i32
    %scan3A_5 = arith.addi %scan3A_3, %scan3A_4 : i32
    %scan3A_6 = arith.constant 1 : i32
    scf.for %scan3A_8 = %scan3A_3 to %scan3A_5 step %scan3A_6  : i32 {
      %mul3A_9 = arith.constant 104 : i32
      %mul3A_10 = arith.muli %scan3A_8, %mul3A_9 : i32
      %add3A_11 = arith.addi %mul3A_2, %mul3A_10 : i32
      "tpu.region"() ({
        %run_scoped3A = tpu.sem_alloc : memref<!tpu.dma_semaphore, #tpu.memory_space<semaphore_mem>>
        %dma_start3A_16 = tpu.memref_slice %arg3[%add3A_11] : memref<13312xi32, #tpu.memory_space<hbm>> -> memref<104xi32, #tpu.memory_space<hbm>>
        %dma_start3A_17 = tpu.memref_slice %arg3[%add3A_11] : memref<13312xi32, #tpu.memory_space<hbm>> -> memref<104xi32, #tpu.memory_space<hbm>>
        tpu.enqueue_dma source(%dma_start3A_17 : memref<104xi32, #tpu.memory_space<hbm>>) target(%arg5 : memref<104xi32, #tpu.memory_space<vmem>>) target_semaphore(%run_scoped3A : memref<!tpu.dma_semaphore, #tpu.memory_space<semaphore_mem>>)
        %dma_wait3A_18 = tpu.memref_slice %arg3[%add3A_11] : memref<13312xi32, #tpu.memory_space<hbm>> -> memref<104xi32, #tpu.memory_space<hbm>>
        %dma_wait3A_19 = tpu.memref_slice %arg3[%add3A_11] : memref<13312xi32, #tpu.memory_space<hbm>> -> memref<104xi32, #tpu.memory_space<hbm>>
        tpu.wait_dma2 semaphore(%run_scoped3A : memref<!tpu.dma_semaphore, #tpu.memory_space<semaphore_mem>>) src(%dma_wait3A_19 : memref<104xi32, #tpu.memory_space<hbm>>) dst(%arg5 : memref<104xi32, #tpu.memory_space<vmem>>)
        tpu.yield
      }) : () -> ()
      %dma_start3A = arith.constant 0 : i32
      %dma_start3A_12 = arith.constant 0 : i32
      %dma_start3A_13 = tpu.memref_slice %arg2[%dma_start3A, %dma_start3A_12] : memref<50176x16xf32, #tpu.memory_space<hbm>> -> memref<50176x16xf32, #tpu.memory_space<hbm>>
      tpu.enqueue_indirect_dma source(%dma_start3A_13 : memref<50176x16xf32, #tpu.memory_space<hbm>>) target(%arg6 : memref<104x16xf32, #tpu.memory_space<vmem>>) offsets(%arg5 : memref<104xi32, #tpu.memory_space<vmem>>) semaphore(%arg7 : memref<!tpu.dma_semaphore, #tpu.memory_space<semaphore_mem>>)
      %dma_wait3A = arith.constant 0 : i32
      %dma_wait3A_14 = arith.constant 0 : i32
      %dma_wait3A_15 = tpu.memref_slice %arg2[%dma_wait3A, %dma_wait3A_14] : memref<50176x16xf32, #tpu.memory_space<hbm>> -> memref<50176x16xf32, #tpu.memory_space<hbm>>
      tpu.wait_indirect_dma semaphore(%arg7 : memref<!tpu.dma_semaphore, #tpu.memory_space<semaphore_mem>>) src(%dma_wait3A_15 : memref<50176x16xf32, #tpu.memory_space<hbm>>) dst(%arg6 : memref<104x16xf32, #tpu.memory_space<vmem>>)
      "tpu.region"() ({
        %run_scoped3A = tpu.sem_alloc : memref<!tpu.dma_semaphore, #tpu.memory_space<semaphore_mem>>
        %dma_start3A_16 = arith.constant 0 : i32
        %dma_start3A_17 = tpu.memref_slice %arg4[%add3A_11, %dma_start3A_16] : memref<13312x16xf32, #tpu.memory_space<hbm>> -> memref<104x16xf32, #tpu.memory_space<hbm>>
        %dma_start3A_18 = arith.constant 0 : i32
        %dma_start3A_19 = tpu.memref_slice %arg4[%add3A_11, %dma_start3A_18] : memref<13312x16xf32, #tpu.memory_space<hbm>> -> memref<104x16xf32, #tpu.memory_space<hbm>>
        tpu.enqueue_dma source(%arg6 : memref<104x16xf32, #tpu.memory_space<vmem>>) target(%dma_start3A_19 : memref<104x16xf32, #tpu.memory_space<hbm>>) target_semaphore(%run_scoped3A : memref<!tpu.dma_semaphore, #tpu.memory_space<semaphore_mem>>)
        %dma_wait3A_20 = arith.constant 0 : i32
        %dma_wait3A_21 = tpu.memref_slice %arg4[%add3A_11, %dma_wait3A_20] : memref<13312x16xf32, #tpu.memory_space<hbm>> -> memref<104x16xf32, #tpu.memory_space<hbm>>
        %dma_wait3A_22 = arith.constant 0 : i32
        %dma_wait3A_23 = tpu.memref_slice %arg4[%add3A_11, %dma_wait3A_22] : memref<13312x16xf32, #tpu.memory_space<hbm>> -> memref<104x16xf32, #tpu.memory_space<hbm>>
        tpu.wait_dma2 semaphore(%run_scoped3A : memref<!tpu.dma_semaphore, #tpu.memory_space<semaphore_mem>>) src(%arg6 : memref<104x16xf32, #tpu.memory_space<vmem>>) dst(%dma_wait3A_23 : memref<104x16xf32, #tpu.memory_space<hbm>>)
        tpu.yield
      }) : () -> ()
    }
    %scan3A_7 = arith.constant 4 : i32
    return
  }
}

module attributes {stable_mosaic.version = 14 : i64} {
  func.func @_knn_body(%arg0: i32, %arg1: memref<1024x16xf32, #tpu.memory_space<vmem>>, %arg2: memref<50176x16xbf16, #tpu.memory_space<vmem>>, %arg3: memref<49x1024xf32, #tpu.memory_space<vmem>>, %arg4: memref<1024x16xi32, #tpu.memory_space<vmem>>, %arg5: memref<2x1024x1024xi32, #tpu.memory_space<vmem>>) attributes {dimension_semantics = [#tpu.dimension_semantics<arbitrary>], iteration_bounds = array<i64: 13>, scalar_prefetch = 0 : i64, scratch_operands = 1 : i64, tpu.core_type = #tpu.core_type<tc>, window_params = [{transform_indices = @transform_0, window_bounds = array<i64: 1024, 16>}, {pipeline_mode = #tpu.pipeline_mode<synchronous>, transform_indices = @transform_1, window_bounds = array<i64: 50176, 16>}, {pipeline_mode = #tpu.pipeline_mode<synchronous>, transform_indices = @transform_2, window_bounds = array<i64: 49, 1024>}, {transform_indices = @transform_3, window_bounds = array<i64: 1024, 16>}]} {
    %get3A = arith.constant 0 : index
    %get3A_0 = arith.constant 0 : index
    %get3A_1 = vector.load %arg1[%get3A, %get3A_0] : memref<1024x16xf32, #tpu.memory_space<vmem>>, vector<1024x16xf32>
    %mul3A = arith.mulf %get3A_1, %get3A_1 : vector<1024x16xf32>
    %reduce_sum3A = arith.constant dense<0.000000e+00> : vector<1024xf32>
    %reduce_sum3A_2 = vector.multi_reduction <add>, %mul3A, %reduce_sum3A [1] : vector<1024x16xf32> to vector<1024xf32>
    %broadcast_in_dim3A = vector.shape_cast %reduce_sum3A_2 : vector<1024xf32> to vector<1024x1xf32>
    %convert_element_type3A = arith.truncf %get3A_1 : vector<1024x16xf32> to vector<1024x16xbf16>
    %broadcast_in_dim3A_3 = arith.constant 2147483647 : i32
    %broadcast_in_dim3A_4 = vector.broadcast %broadcast_in_dim3A_3 : i32 to vector<1024x1024xi32>
    %swap3A = arith.constant 0 : index
    %swap3A_5 = arith.constant 0 : index
    %swap3A_6 = arith.constant 0 : index
    %swap3A_7 = vector.load %arg5[%swap3A, %swap3A_5, %swap3A_6] : memref<2x1024x1024xi32, #tpu.memory_space<vmem>>, vector<1x1024x1024xi32>
    %swap3A_8 = vector.shape_cast %swap3A_7 : vector<1x1024x1024xi32> to vector<1024x1024xi32>
    %swap3A_9 = vector.shape_cast %broadcast_in_dim3A_4 : vector<1024x1024xi32> to vector<1x1024x1024xi32>
    tpu.vector_store %arg5[%swap3A, %swap3A_5, %swap3A_6], %swap3A_9 {strides = array<i32>} : memref<2x1024x1024xi32, #tpu.memory_space<vmem>>, vector<1x1024x1024xi32>,
    %broadcast_in_dim3A_10 = arith.constant 2147483647 : i32
    %broadcast_in_dim3A_11 = vector.broadcast %broadcast_in_dim3A_10 : i32 to vector<1024x1024xi32>
    %swap3A_12 = arith.constant 1 : index
    %swap3A_13 = arith.constant 0 : index
    %swap3A_14 = arith.constant 0 : index
    %swap3A_15 = vector.load %arg5[%swap3A_12, %swap3A_13, %swap3A_14] : memref<2x1024x1024xi32, #tpu.memory_space<vmem>>, vector<1x1024x1024xi32>
    %swap3A_16 = vector.shape_cast %swap3A_15 : vector<1x1024x1024xi32> to vector<1024x1024xi32>
    %swap3A_17 = vector.shape_cast %broadcast_in_dim3A_11 : vector<1024x1024xi32> to vector<1x1024x1024xi32>
    tpu.vector_store %arg5[%swap3A_12, %swap3A_13, %swap3A_14], %swap3A_17 {strides = array<i32>} : memref<2x1024x1024xi32, #tpu.memory_space<vmem>>, vector<1x1024x1024xi32>,
    %scan3A = arith.constant 0 : i32
    %scan3A_18 = arith.constant 49 : i32
    %scan3A_19 = arith.addi %scan3A, %scan3A_18 : i32
    %scan3A_20 = arith.constant 1 : i32
    scf.for %scan3A_45 = %scan3A to %scan3A_19 step %scan3A_20  : i32 {
      %mul3A_46 = arith.constant 1024 : i32
      %mul3A_47 = arith.muli %scan3A_45, %mul3A_46 : i32
      %get3A_48 = arith.index_cast %mul3A_47 : i32 to index
      %get3A_49 = arith.constant 0 : index
      %get3A_50 = vector.load %arg2[%get3A_48, %get3A_49] : memref<50176x16xbf16, #tpu.memory_space<vmem>>, vector<1024x16xbf16>
      %dot_general3A = arith.constant dense<0.000000e+00> : vector<1024x1024xf32>
      %dot_general3A_51 = tpu.matmul %convert_element_type3A, %get3A_50, %dot_general3A {dimension_numbers = #tpu.dot_dimension_numbers<[1], [1], [0], [0], [0, 0, 1, 0], [], []>, transpose_lhs_hint = false} : vector<1024x16xbf16>, vector<1024x16xbf16>, vector<1024x1024xf32> -> vector<1024x1024xf32>
      %get3A_52 = arith.index_cast %scan3A_45 : i32 to index
      %get3A_53 = arith.constant 0 : index
      %get3A_54 = vector.load %arg3[%get3A_52, %get3A_53] : memref<49x1024xf32, #tpu.memory_space<vmem>>, vector<1x1024xf32>
      %add3A = vector.broadcast %broadcast_in_dim3A : vector<1024x1xf32> to vector<1024x1024xf32>
      %add3A_55 = vector.broadcast %get3A_54 : vector<1x1024xf32> to vector<1024x1024xf32>
      %add3A_56 = arith.addf %add3A, %add3A_55 : vector<1024x1024xf32>
      %mul3A_57 = arith.constant 2.000000e+00 : f32
      %mul3A_58 = vector.broadcast %mul3A_57 : f32 to vector<1024x1024xf32>
      %mul3A_59 = arith.mulf %mul3A_58, %dot_general3A_51 : vector<1024x1024xf32>
      %sub3A = arith.subf %add3A_56, %mul3A_59 : vector<1024x1024xf32>
      %bitcast_convert_type3A = tpu.bitcast %sub3A : vector<1024x1024xf32> -> vector<1024x1024xi32>
      %and3A = arith.constant -64 : i32
      %and3A_60 = vector.broadcast %and3A : i32 to vector<1024x1024xi32>
      %and3A_61 = arith.andi %bitcast_convert_type3A, %and3A_60 : vector<1024x1024xi32>
      %or3A = vector.broadcast %scan3A_45 : i32 to vector<1024x1024xi32>
      %or3A_62 = arith.ori %and3A_61, %or3A : vector<1024x1024xi32>
      %get3A_63 = arith.constant 0 : index
      %get3A_64 = arith.constant 0 : index
      %get3A_65 = arith.constant 0 : index
      %get3A_66 = vector.load %arg5[%get3A_63, %get3A_64, %get3A_65] : memref<2x1024x1024xi32, #tpu.memory_space<vmem>>, vector<1x1024x1024xi32>
      %get3A_67 = vector.shape_cast %get3A_66 : vector<1x1024x1024xi32> to vector<1024x1024xi32>
      %get3A_68 = arith.constant 1 : index
      %get3A_69 = arith.constant 0 : index
      %get3A_70 = arith.constant 0 : index
      %get3A_71 = vector.load %arg5[%get3A_68, %get3A_69, %get3A_70] : memref<2x1024x1024xi32, #tpu.memory_space<vmem>>, vector<1x1024x1024xi32>
      %get3A_72 = vector.shape_cast %get3A_71 : vector<1x1024x1024xi32> to vector<1024x1024xi32>
      %max3A = arith.maxsi %get3A_67, %or3A_62 : vector<1024x1024xi32>
      %min3A = arith.minsi %get3A_67, %or3A_62 : vector<1024x1024xi32>
      %swap3A_73 = arith.constant 0 : index
      %swap3A_74 = arith.constant 0 : index
      %swap3A_75 = arith.constant 0 : index
      %swap3A_76 = vector.load %arg5[%swap3A_73, %swap3A_74, %swap3A_75] : memref<2x1024x1024xi32, #tpu.memory_space<vmem>>, vector<1x1024x1024xi32>
      %swap3A_77 = vector.shape_cast %swap3A_76 : vector<1x1024x1024xi32> to vector<1024x1024xi32>
      %swap3A_78 = vector.shape_cast %min3A : vector<1024x1024xi32> to vector<1x1024x1024xi32>
      tpu.vector_store %arg5[%swap3A_73, %swap3A_74, %swap3A_75], %swap3A_78 {strides = array<i32>} : memref<2x1024x1024xi32, #tpu.memory_space<vmem>>, vector<1x1024x1024xi32>,
      %min3A_79 = arith.minsi %get3A_72, %max3A : vector<1024x1024xi32>
      %swap3A_80 = arith.constant 1 : index
      %swap3A_81 = arith.constant 0 : index
      %swap3A_82 = arith.constant 0 : index
      %swap3A_83 = vector.load %arg5[%swap3A_80, %swap3A_81, %swap3A_82] : memref<2x1024x1024xi32, #tpu.memory_space<vmem>>, vector<1x1024x1024xi32>
      %swap3A_84 = vector.shape_cast %swap3A_83 : vector<1x1024x1024xi32> to vector<1024x1024xi32>
      %swap3A_85 = vector.shape_cast %min3A_79 : vector<1024x1024xi32> to vector<1x1024x1024xi32>
      tpu.vector_store %arg5[%swap3A_80, %swap3A_81, %swap3A_82], %swap3A_85 {strides = array<i32>} : memref<2x1024x1024xi32, #tpu.memory_space<vmem>>, vector<1x1024x1024xi32>,
    }
    %scan3A_21 = arith.constant 49 : i32
    %iota3A = tpu.iota {dimensions = array<i32: 1>} : vector<1024x1024xi32>
    %iota3A_22 = tpu.iota {dimensions = array<i32: 1>} : vector<1024x16xi32>
    %get3A_23 = arith.constant 0 : index
    %get3A_24 = arith.constant 0 : index
    %get3A_25 = arith.constant 0 : index
    %get3A_26 = vector.load %arg5[%get3A_23, %get3A_24, %get3A_25] : memref<2x1024x1024xi32, #tpu.memory_space<vmem>>, vector<1x1024x1024xi32>
    %get3A_27 = vector.shape_cast %get3A_26 : vector<1x1024x1024xi32> to vector<1024x1024xi32>
    %get3A_28 = arith.constant 1 : index
    %get3A_29 = arith.constant 0 : index
    %get3A_30 = arith.constant 0 : index
    %get3A_31 = vector.load %arg5[%get3A_28, %get3A_29, %get3A_30] : memref<2x1024x1024xi32, #tpu.memory_space<vmem>>, vector<1x1024x1024xi32>
    %get3A_32 = vector.shape_cast %get3A_31 : vector<1x1024x1024xi32> to vector<1024x1024xi32>
    %broadcast_in_dim3A_33 = arith.constant 0 : i32
    %broadcast_in_dim3A_34 = vector.broadcast %broadcast_in_dim3A_33 : i32 to vector<1024x16xi32>
    %scan3A_35 = arith.constant 2147483647 : i32
    %scan3A_36 = arith.constant 0 : i32
    %scan3A_37 = arith.constant 16 : i32
    %scan3A_38 = arith.addi %scan3A_36, %scan3A_37 : i32
    %scan3A_39 = arith.constant 1 : i32
    %scan3A_40:3 = scf.for %scan3A_45 = %scan3A_36 to %scan3A_38 step %scan3A_39 iter_args(%scan3A_46 = %get3A_27, %scan3A_47 = %get3A_32, %scan3A_48 = %broadcast_in_dim3A_34) -> (vector<1024x1024xi32>, vector<1024x1024xi32>, vector<1024x16xi32>)  : i32 {
      %reduce_min3A = arith.constant dense<2147483647> : vector<1024xi32>
      %reduce_min3A_49 = vector.multi_reduction <minsi>, %scan3A_46, %reduce_min3A [1] : vector<1024x1024xi32> to vector<1024xi32>
      %broadcast_in_dim3A_50 = vector.shape_cast %reduce_min3A_49 : vector<1024xi32> to vector<1024x1xi32>
      %eq3A = vector.broadcast %broadcast_in_dim3A_50 : vector<1024x1xi32> to vector<1024x1024xi32>
      %eq3A_51 = arith.cmpi eq, %scan3A_46, %eq3A : vector<1024x1024xi32>
      %jit3A = arith.constant 1024 : i32
      %broadcast_in_dim3A_52 = vector.broadcast %jit3A : i32 to vector<1024x1024xi32>
      %select_n3A = arith.select %eq3A_51, %iota3A, %broadcast_in_dim3A_52 : vector<1024x1024xi1>, vector<1024x1024xi32>
      %reduce_min3A_53 = arith.constant dense<2147483647> : vector<1024xi32>
      %reduce_min3A_54 = vector.multi_reduction <minsi>, %select_n3A, %reduce_min3A_53 [1] : vector<1024x1024xi32> to vector<1024xi32>
      %broadcast_in_dim3A_55 = vector.shape_cast %reduce_min3A_54 : vector<1024xi32> to vector<1024x1xi32>
      %eq3A_56 = vector.broadcast %broadcast_in_dim3A_55 : vector<1024x1xi32> to vector<1024x1024xi32>
      %eq3A_57 = arith.cmpi eq, %iota3A, %eq3A_56 : vector<1024x1024xi32>
      %select_n3A_58 = arith.select %eq3A_57, %scan3A_47, %scan3A_46 : vector<1024x1024xi1>, vector<1024x1024xi32>
      %broadcast_in_dim3A_59 = vector.broadcast %scan3A_35 : i32 to vector<1024x1024xi32>
      %select_n3A_60 = arith.select %eq3A_57, %broadcast_in_dim3A_59, %scan3A_47 : vector<1024x1024xi1>, vector<1024x1024xi32>
      %and3A = arith.constant 63 : i32
      %and3A_61 = vector.broadcast %and3A : i32 to vector<1024x1xi32>
      %and3A_62 = arith.andi %broadcast_in_dim3A_50, %and3A_61 : vector<1024x1xi32>
      %mul3A_63 = arith.constant 1024 : i32
      %mul3A_64 = vector.broadcast %mul3A_63 : i32 to vector<1024x1xi32>
      %mul3A_65 = arith.muli %and3A_62, %mul3A_64 : vector<1024x1xi32>
      %add3A = arith.addi %mul3A_65, %broadcast_in_dim3A_55 : vector<1024x1xi32>
      %eq3A_66 = vector.broadcast %scan3A_45 : i32 to vector<1024x16xi32>
      %eq3A_67 = arith.cmpi eq, %iota3A_22, %eq3A_66 : vector<1024x16xi32>
      %broadcast_in_dim3A_68 = vector.shape_cast %add3A : vector<1024x1xi32> to vector<1024x1xi32>
      %broadcast_in_dim3A_69 = vector.broadcast %broadcast_in_dim3A_68 : vector<1024x1xi32> to vector<1024x16xi32>
      %select_n3A_70 = arith.select %eq3A_67, %broadcast_in_dim3A_69, %scan3A_48 : vector<1024x16xi1>, vector<1024x16xi32>
      scf.yield %select_n3A_58, %select_n3A_60, %select_n3A_70 : vector<1024x1024xi32>, vector<1024x1024xi32>, vector<1024x16xi32>
    }
    %scan3A_41 = arith.constant 16 : i32
    %swap3A_42 = arith.constant 0 : index
    %swap3A_43 = arith.constant 0 : index
    %swap3A_44 = vector.load %arg4[%swap3A_42, %swap3A_43] : memref<1024x16xi32, #tpu.memory_space<vmem>>, vector<1024x16xi32>
    tpu.vector_store %arg4[%swap3A_42, %swap3A_43], %scan3A_40#2 {strides = array<i32>} : memref<1024x16xi32, #tpu.memory_space<vmem>>, vector<1024x16xi32>,
    return
  }
  func.func @transform_0(%arg0: i32) -> (i32, i32) {
    %c0_i32 = arith.constant 0 : i32
    %c0_i32_0 = arith.constant 0 : i32
    return %arg0, %c0_i32 : i32, i32
  }
  func.func @transform_1(%arg0: i32) -> (i32, i32) {
    %c0_i32 = arith.constant 0 : i32
    %c0_i32_0 = arith.constant 0 : i32
    %c0_i32_1 = arith.constant 0 : i32
    return %c0_i32, %c0_i32_0 : i32, i32
  }
  func.func @transform_2(%arg0: i32) -> (i32, i32) {
    %c0_i32 = arith.constant 0 : i32
    %c0_i32_0 = arith.constant 0 : i32
    %c0_i32_1 = arith.constant 0 : i32
    return %c0_i32, %c0_i32_0 : i32, i32
  }
  func.func @transform_3(%arg0: i32) -> (i32, i32) {
    %c0_i32 = arith.constant 0 : i32
    %c0_i32_0 = arith.constant 0 : i32
    return %arg0, %c0_i32 : i32, i32
  }
}

module attributes {stable_mosaic.version = 14 : i64} {
  func.func @_msg_body(%arg0: i32, %arg1: memref<1024x128xf32, #tpu.memory_space<vmem>>, %arg2: memref<1024x16xf32, #tpu.memory_space<vmem>>, %arg3: memref<64x16xf32, #tpu.memory_space<vmem>>, %arg4: memref<1024x64xf32, #tpu.memory_space<vmem>>, %arg5: memref<64x1024xf32, #tpu.memory_space<vmem>>, %arg6: memref<16x64xf32, #tpu.memory_space<vmem>>, %arg7: memref<16x64xf32, #tpu.memory_space<vmem>>, %arg8: memref<8x64xf32, #tpu.memory_space<vmem>>, %arg9: memref<192x192xf32, #tpu.memory_space<vmem>>, %arg10: memref<8x192xf32, #tpu.memory_space<vmem>>, %arg11: memref<192x256xf32, #tpu.memory_space<vmem>>, %arg12: memref<8x256xf32, #tpu.memory_space<vmem>>, %arg13: memref<64x256xf32, #tpu.memory_space<vmem>>) attributes {dimension_semantics = [#tpu.dimension_semantics<arbitrary>], iteration_bounds = array<i64: 208>, scalar_prefetch = 0 : i64, scratch_operands = 0 : i64, tpu.core_type = #tpu.core_type<tc>, window_params = [{transform_indices = @transform_0, window_bounds = array<i64: 1024, 128>}, {transform_indices = @transform_1, window_bounds = array<i64: 1024, 16>}, {transform_indices = @transform_2, window_bounds = array<i64: 64, 16>}, {pipeline_mode = #tpu.pipeline_mode<synchronous>, transform_indices = @transform_3, window_bounds = array<i64: 1024, 64>}, {pipeline_mode = #tpu.pipeline_mode<synchronous>, transform_indices = @transform_4, window_bounds = array<i64: 64, 1024>}, {pipeline_mode = #tpu.pipeline_mode<synchronous>, transform_indices = @transform_5, window_bounds = array<i64: 16, 64>}, {pipeline_mode = #tpu.pipeline_mode<synchronous>, transform_indices = @transform_6, window_bounds = array<i64: 16, 64>}, {pipeline_mode = #tpu.pipeline_mode<synchronous>, transform_indices = @transform_7, window_bounds = array<i64: 8, 64>}, {pipeline_mode = #tpu.pipeline_mode<synchronous>, transform_indices = @transform_8, window_bounds = array<i64: 192, 192>}, {pipeline_mode = #tpu.pipeline_mode<synchronous>, transform_indices = @transform_9, window_bounds = array<i64: 8, 192>}, {pipeline_mode = #tpu.pipeline_mode<synchronous>, transform_indices = @transform_10, window_bounds = array<i64: 192, 256>}, {pipeline_mode = #tpu.pipeline_mode<synchronous>, transform_indices = @transform_11, window_bounds = array<i64: 8, 256>}, {transform_indices = @transform_12, window_bounds = array<i64: 64, 256>}]} {
    %get3A = arith.constant 0 : index
    %get3A_0 = arith.constant 0 : index
    %get3A_1 = vector.load %arg2[%get3A, %get3A_0] : memref<1024x16xf32, #tpu.memory_space<vmem>>, vector<1024x16xf32>
    %get3A_2 = arith.constant 0 : index
    %get3A_3 = arith.constant 0 : index
    %get3A_4 = vector.load %arg3[%get3A_2, %get3A_3] : memref<64x16xf32, #tpu.memory_space<vmem>>, vector<64x16xf32>
    %get3A_5 = arith.constant 0 : index
    %get3A_6 = arith.constant 0 : index
    %get3A_7 = vector.load %arg4[%get3A_5, %get3A_6] : memref<1024x64xf32, #tpu.memory_space<vmem>>, vector<1024x64xf32>
    %dot_general3A = arith.constant dense<0.000000e+00> : vector<1024x16xf32>
    %dot_general3A_8 = tpu.matmul %get3A_7, %get3A_4, %dot_general3A {dimension_numbers = #tpu.dot_dimension_numbers<[1], [0], [0], [1], [0, 0, 1, 1], [], []>, transpose_lhs_hint = false} : vector<1024x64xf32>, vector<64x16xf32>, vector<1024x16xf32> -> vector<1024x16xf32>
    %sub3A = arith.subf %dot_general3A_8, %get3A_1 : vector<1024x16xf32>
    %mul3A = arith.mulf %sub3A, %sub3A : vector<1024x16xf32>
    %reduce_sum3A = arith.constant dense<0.000000e+00> : vector<1024xf32>
    %reduce_sum3A_9 = vector.multi_reduction <add>, %mul3A, %reduce_sum3A [1] : vector<1024x16xf32> to vector<1024xf32>
    %broadcast_in_dim3A = vector.shape_cast %reduce_sum3A_9 : vector<1024xf32> to vector<1024x1xf32>
    %add3A = arith.constant 9.99999996E-13 : f32
    %add3A_10 = vector.broadcast %add3A : f32 to vector<1024x1xf32>
    %add3A_11 = arith.addf %broadcast_in_dim3A, %add3A_10 : vector<1024x1xf32>
    %sqrt3A = math.sqrt %add3A_11 : vector<1024x1xf32>
    %get3A_12 = arith.constant 0 : index
    %get3A_13 = arith.constant 0 : index
    %get3A_14 = vector.load %arg8[%get3A_12, %get3A_13] : memref<8x64xf32, #tpu.memory_space<vmem>>, vector<1x64xf32>
    %get3A_15 = arith.constant 1 : index
    %get3A_16 = arith.constant 0 : index
    %get3A_17 = vector.load %arg8[%get3A_15, %get3A_16] : memref<8x64xf32, #tpu.memory_space<vmem>>, vector<1x64xf32>
    %get3A_18 = arith.constant 0 : index
    %get3A_19 = arith.constant 0 : index
    %get3A_20 = vector.load %arg6[%get3A_18, %get3A_19] : memref<16x64xf32, #tpu.memory_space<vmem>>, vector<16x64xf32>
    %dot_general3A_21 = arith.constant dense<0.000000e+00> : vector<1024x64xf32>
    %dot_general3A_22 = tpu.matmul %dot_general3A_8, %get3A_20, %dot_general3A_21 {dimension_numbers = #tpu.dot_dimension_numbers<[1], [0], [0], [1], [0, 0, 1, 1], [], []>, transpose_lhs_hint = false} : vector<1024x16xf32>, vector<16x64xf32>, vector<1024x64xf32> -> vector<1024x64xf32>
    %get3A_23 = arith.constant 0 : index
    %get3A_24 = arith.constant 0 : index
    %get3A_25 = vector.load %arg7[%get3A_23, %get3A_24] : memref<16x64xf32, #tpu.memory_space<vmem>>, vector<16x64xf32>
    %dot_general3A_26 = arith.constant dense<0.000000e+00> : vector<1024x64xf32>
    %dot_general3A_27 = tpu.matmul %get3A_1, %get3A_25, %dot_general3A_26 {dimension_numbers = #tpu.dot_dimension_numbers<[1], [0], [0], [1], [0, 0, 1, 1], [], []>, transpose_lhs_hint = false} : vector<1024x16xf32>, vector<16x64xf32>, vector<1024x64xf32> -> vector<1024x64xf32>
    %add3A_28 = arith.addf %dot_general3A_22, %dot_general3A_27 : vector<1024x64xf32>
    %mul3A_29 = vector.broadcast %sqrt3A : vector<1024x1xf32> to vector<1024x64xf32>
    %mul3A_30 = vector.broadcast %get3A_14 : vector<1x64xf32> to vector<1024x64xf32>
    %mul3A_31 = arith.mulf %mul3A_29, %mul3A_30 : vector<1024x64xf32>
    %add3A_32 = arith.addf %add3A_28, %mul3A_31 : vector<1024x64xf32>
    %add3A_33 = vector.broadcast %get3A_17 : vector<1x64xf32> to vector<1024x64xf32>
    %add3A_34 = arith.addf %add3A_32, %add3A_33 : vector<1024x64xf32>
    %get3A_35 = arith.constant 0 : index
    %get3A_36 = arith.constant 0 : index
    %get3A_37 = vector.load %arg1[%get3A_35, %get3A_36] : memref<1024x128xf32, #tpu.memory_space<vmem>>, vector<1024x128xf32>
    %concatenate3A = tpu.concatenate %get3A_37, %add3A_34 in 1 : vector<1024x128xf32>, vector<1024x64xf32> -> vector<1024x192xf32>
    %get3A_38 = arith.constant 0 : index
    %get3A_39 = arith.constant 0 : index
    %get3A_40 = vector.load %arg9[%get3A_38, %get3A_39] : memref<192x192xf32, #tpu.memory_space<vmem>>, vector<192x192xf32>
    %dot_general3A_41 = arith.constant dense<0.000000e+00> : vector<1024x192xf32>
    %dot_general3A_42 = tpu.matmul %concatenate3A, %get3A_40, %dot_general3A_41 {dimension_numbers = #tpu.dot_dimension_numbers<[1], [0], [0], [1], [0, 0, 1, 1], [], []>, transpose_lhs_hint = false} : vector<1024x192xf32>, vector<192x192xf32>, vector<1024x192xf32> -> vector<1024x192xf32>
    %get3A_43 = arith.constant 0 : index
    %get3A_44 = arith.constant 0 : index
    %get3A_45 = vector.load %arg10[%get3A_43, %get3A_44] : memref<8x192xf32, #tpu.memory_space<vmem>>, vector<1x192xf32>
    %add3A_46 = vector.broadcast %get3A_45 : vector<1x192xf32> to vector<1024x192xf32>
    %add3A_47 = arith.addf %dot_general3A_42, %add3A_46 : vector<1024x192xf32>
    %reduce_max3A = arith.constant dense<0xFF800000> : vector<1024xf32>
    %reduce_max3A_48 = vector.multi_reduction <maximumf>, %add3A_47, %reduce_max3A [1] : vector<1024x192xf32> to vector<1024xf32>
    %broadcast_in_dim3A_49 = vector.shape_cast %reduce_max3A_48 : vector<1024xf32> to vector<1024x1xf32>
    %sub3A_50 = vector.broadcast %broadcast_in_dim3A_49 : vector<1024x1xf32> to vector<1024x192xf32>
    %sub3A_51 = arith.subf %add3A_47, %sub3A_50 : vector<1024x192xf32>
    %exp3A = math.exp %sub3A_51 : vector<1024x192xf32>
    %reduce_sum3A_52 = arith.constant dense<0.000000e+00> : vector<1024xf32>
    %reduce_sum3A_53 = vector.multi_reduction <add>, %exp3A, %reduce_sum3A_52 [1] : vector<1024x192xf32> to vector<1024xf32>
    %broadcast_in_dim3A_54 = vector.shape_cast %reduce_sum3A_53 : vector<1024xf32> to vector<1024x1xf32>
    %div3A = vector.broadcast %broadcast_in_dim3A_54 : vector<1024x1xf32> to vector<1024x192xf32>
    %div3A_55 = arith.divf %exp3A, %div3A : vector<1024x192xf32>
    %mul3A_56 = arith.mulf %div3A_55, %concatenate3A : vector<1024x192xf32>
    %get3A_57 = arith.constant 0 : index
    %get3A_58 = arith.constant 0 : index
    %get3A_59 = vector.load %arg5[%get3A_57, %get3A_58] : memref<64x1024xf32, #tpu.memory_space<vmem>>, vector<64x1024xf32>
    %dot_general3A_60 = arith.constant dense<0.000000e+00> : vector<64x192xf32>
    %dot_general3A_61 = tpu.matmul %get3A_59, %mul3A_56, %dot_general3A_60 {dimension_numbers = #tpu.dot_dimension_numbers<[1], [0], [0], [1], [0, 0, 1, 1], [], []>, transpose_lhs_hint = false} : vector<64x1024xf32>, vector<1024x192xf32>, vector<64x192xf32> -> vector<64x192xf32>
    %get3A_62 = arith.constant 0 : index
    %get3A_63 = arith.constant 0 : index
    %get3A_64 = vector.load %arg11[%get3A_62, %get3A_63] : memref<192x256xf32, #tpu.memory_space<vmem>>, vector<192x256xf32>
    %dot_general3A_65 = arith.constant dense<0.000000e+00> : vector<64x256xf32>
    %dot_general3A_66 = tpu.matmul %dot_general3A_61, %get3A_64, %dot_general3A_65 {dimension_numbers = #tpu.dot_dimension_numbers<[1], [0], [0], [1], [0, 0, 1, 1], [], []>, transpose_lhs_hint = false} : vector<64x192xf32>, vector<192x256xf32>, vector<64x256xf32> -> vector<64x256xf32>
    %get3A_67 = arith.constant 0 : index
    %get3A_68 = arith.constant 0 : index
    %get3A_69 = vector.load %arg12[%get3A_67, %get3A_68] : memref<8x256xf32, #tpu.memory_space<vmem>>, vector<1x256xf32>
    %add3A_70 = vector.broadcast %get3A_69 : vector<1x256xf32> to vector<64x256xf32>
    %add3A_71 = arith.addf %dot_general3A_66, %add3A_70 : vector<64x256xf32>
    %swap3A = arith.constant 0 : index
    %swap3A_72 = arith.constant 0 : index
    %swap3A_73 = vector.load %arg13[%swap3A, %swap3A_72] : memref<64x256xf32, #tpu.memory_space<vmem>>, vector<64x256xf32>
    tpu.vector_store %arg13[%swap3A, %swap3A_72], %add3A_71 {strides = array<i32>} : memref<64x256xf32, #tpu.memory_space<vmem>>, vector<64x256xf32>,
    return
  }
  func.func @transform_0(%arg0: i32) -> (i32, i32) {
    %c0_i32 = arith.constant 0 : i32
    %c0_i32_0 = arith.constant 0 : i32
    return %arg0, %c0_i32 : i32, i32
  }
  func.func @transform_1(%arg0: i32) -> (i32, i32) {
    %c0_i32 = arith.constant 0 : i32
    %c0_i32_0 = arith.constant 0 : i32
    return %arg0, %c0_i32 : i32, i32
  }
  func.func @transform_2(%arg0: i32) -> (i32, i32) {
    %c0_i32 = arith.constant 0 : i32
    %c0_i32_0 = arith.constant 0 : i32
    return %arg0, %c0_i32 : i32, i32
  }
  func.func @transform_3(%arg0: i32) -> (i32, i32) {
    %c0_i32 = arith.constant 0 : i32
    %c0_i32_0 = arith.constant 0 : i32
    %c0_i32_1 = arith.constant 0 : i32
    return %c0_i32, %c0_i32_0 : i32, i32
  }
  func.func @transform_4(%arg0: i32) -> (i32, i32) {
    %c0_i32 = arith.constant 0 : i32
    %c0_i32_0 = arith.constant 0 : i32
    %c0_i32_1 = arith.constant 0 : i32
    return %c0_i32, %c0_i32_0 : i32, i32
  }
  func.func @transform_5(%arg0: i32) -> (i32, i32) {
    %c0_i32 = arith.constant 0 : i32
    %c0_i32_0 = arith.constant 0 : i32
    %c0_i32_1 = arith.constant 0 : i32
    return %c0_i32, %c0_i32_0 : i32, i32
  }
  func.func @transform_6(%arg0: i32) -> (i32, i32) {
    %c0_i32 = arith.constant 0 : i32
    %c0_i32_0 = arith.constant 0 : i32
    %c0_i32_1 = arith.constant 0 : i32
    return %c0_i32, %c0_i32_0 : i32, i32
  }
  func.func @transform_7(%arg0: i32) -> (i32, i32) {
    %c0_i32 = arith.constant 0 : i32
    %c0_i32_0 = arith.constant 0 : i32
    %c0_i32_1 = arith.constant 0 : i32
    return %c0_i32, %c0_i32_0 : i32, i32
  }
  func.func @transform_8(%arg0: i32) -> (i32, i32) {
    %c0_i32 = arith.constant 0 : i32
    %c0_i32_0 = arith.constant 0 : i32
    %c0_i32_1 = arith.constant 0 : i32
    return %c0_i32, %c0_i32_0 : i32, i32
  }
  func.func @transform_9(%arg0: i32) -> (i32, i32) {
    %c0_i32 = arith.constant 0 : i32
    %c0_i32_0 = arith.constant 0 : i32
    %c0_i32_1 = arith.constant 0 : i32
    return %c0_i32, %c0_i32_0 : i32, i32
  }
  func.func @transform_10(%arg0: i32) -> (i32, i32) {
    %c0_i32 = arith.constant 0 : i32
    %c0_i32_0 = arith.constant 0 : i32
    %c0_i32_1 = arith.constant 0 : i32
    return %c0_i32, %c0_i32_0 : i32, i32
  }
  func.func @transform_11(%arg0: i32) -> (i32, i32) {
    %c0_i32 = arith.constant 0 : i32
    %c0_i32_0 = arith.constant 0 : i32
    %c0_i32_1 = arith.constant 0 : i32
    return %c0_i32, %c0_i32_0 : i32, i32
  }
  func.func @transform_12(%arg0: i32) -> (i32, i32) {
    %c0_i32 = arith.constant 0 : i32
    %c0_i32_0 = arith.constant 0 : i32
    return %arg0, %c0_i32 : i32, i32
  }
}

</mosaic_0001>

<sc_bundles>
// kernel: kernel.6.cloned.1.call-start
scs
__scs_entry_jumppad:
0x0: {  	(pc) =	sbr.rel $0x88, $3  }
0x1: {  	(tag) =	ssettag $0x0;
	lr =	simm.s32 $0x1  }
0x2: {  	[smem:$0x3F99] =	sst lr;
	_ =	strace $0xD0000000  }
0x3: {  	_ = 	snop  }
0x4: {  	_ = 	snop  }
0x5: {  	_ = 	snop  }
0x6: {  	_ = 	snop  }
0x7: {  	_ = 	snop  }
__scs_overlays_trampoline_lowered:
0x8: {  	[smem:$0x3FA8] =	sst s0  }
0x9: {  	[smem:$0x3FA9] =	sst s1  }
0xa: {  	[smem:$0x3FAA] =	sst s2  }
0xb: {  	[smem:$0x3FAB] =	sst s3  }
0xc: {  	[smem:$0x3FAC] =	sst s4  }
0xd: {  	[smem:$0x3FAD] =	sst s5  }
0xe: {  	[smem:$0x3FAE] =	sst s6  }
0xf: {  	[smem:$0x3FAF] =	sst s7  }
0x10: {  	[smem:$0x3FB0] =	sst s8  }
0x11: {  	[smem:$0x3FB1] =	sst s9;
	s0 =	simm.s32 @!p0 $0x0  }
0x12: {  	s1 =	sld [smem:$0x3F97];
	s0 =	simm.s32 @p0 $0x1  }
0x13: {  	[smem:$0x3FB2] =	sst s0;
	s0 =	simm.s32 @!p1 $0x0  }
0x14: {  	s2 =	sld [smem:$0x3F96];
	s0 =	simm.s32 @p1 $0x1  }
0x15: {  	[smem:$0x3FB3] =	sst s0;
	s0 =	simm.s32 @!p2 $0x0  }
0x16: {  	s3 =	sld [smem:$0x3FDB];
	s0 =	simm.s32 @p2 $0x1  }
0x17: {  	s4 =	simm.s32 $0x1BF5;
	[smem:$0x3FB5] =	sst s0  }
0x18: {  	s0 =	sld [smem:$0x3F98];
	_ =	swait.ge [sflag:s4], $0x0  }
0x19: {  	s7 =	sld [smem:$0x3F99]  }
0x1a: {  	s8 =	sadd.s32 $0xFFFFE003, lr  }
0x1b: {  	s9 =	sadd.s32 $0xFFFFFEF7, lr;
	s5 =	simm.s32 $0xFFFFFFFF;
	p2 =	slt.u32 s8, $0xFFFFF086  }
0x1c: {  	p1 =	slt.u32 s9, $0xF7A;
	s5 =	simm.s32 @!p2 $0x0  }
0x1d: {  	s5 =	simm.s32 @p1 $0x1;
	p0 =	seq.s32 s7, s2  }
0x1e: {  	s7 =	smul.u32 @!p0 $0xF7A, s2;
	p2 =	seq.s32 @!p0 s5, $0x0  }
0x1f: {  	s9 =	smul.u32 $0xF7A, s1;
	s8 =	simm.s32 @!p0 $0x1BF5;
	p2 =	por !p2, p0  }
0x20: {  	[sflag:s8] =	ssyncset.s32 @!p0 $0xFFFFF086;
	s6 =	sadd.s32 @!p0 s3, s7;
	s7 =	simm.s32 @!p0 $0x108  }
0x21: {  	s3 =	sadd.s32 s3, s9;
	s6 =	sadd.s32 @!p0 $0x88, s6;
	s7 =	simm.s32 @p2 $0x1082  }
0x22: {  	[simem:s7], [sflag:s8] =	dma.local @!p0 [hbm:s6], $0xF7A  }
0x23: {  	s9 =	sor.u32 $0xD0000000, s2;
	s6 =	simm.s32 $0x108;
	_ =	swait.ge @!p0 [sflag:s8], $0x0  }
0x24: {  	s3 =	sadd.s32 $0x88, s3;
	s6 =	simm.s32 @!p1 $0x1082;
	[sflag:s4] =	ssyncset.s32 $0xFFFFF086  }
0x25: {  	[simem:s6], [sflag:s4] =	dma.local [hbm:s3], $0xF7A  }
0x26: {  	[smem:$0x3F99] =	sst s1;
	(tag) =	ssettag s2;
	_ =	strace s9  }
0x27: {  	s1 =	sld [smem:$0x3FA9]  }
0x28: {  	s2 =	sld [smem:$0x3FAA]  }
0x29: {  	s4 =	sld [smem:$0x3FAC]  }
0x2a: {  	p0 =	seq.s32 s5, $0x0;
	s5 =	sld [smem:$0x3FAD]  }
0x2b: {  	s6 =	sld [smem:$0x3FAE]  }
0x2c: {  	s7 =	sld [smem:$0x3FAF]  }
0x2d: {  	s3 =	simm.s32 $0x108;
	s8 =	sld [smem:$0x3FB0]  }
0x2e: {  	s3 =	simm.s32 @!p0 $0x1082;
	s9 =	sld [smem:$0x3FB1]  }
0x2f: {  	lr =	sadd.s32 s0, s3;
	s0 =	sld [smem:$0x3FA8]  }
0x30: {  	s3 =	sld [smem:$0x3FAB]  }
0x31: {  	[smem:$0x3FB4] =	sst s10  }
0x32: {  	s10 =	sld [smem:$0x3FB2];
	_ =	sdelay $0x3  }
0x33: {  	p0 =	seq.s32 s10, $0x1;
	s10 =	sld [smem:$0x3FB4];
	_ =	sdelay $0x3  }
0x34: {  	[smem:$0x3FB4] =	sst s10  }
0x35: {  	s10 =	sld [smem:$0x3FB3];
	_ =	sdelay $0x3  }
0x36: {  	p1 =	seq.s32 s10, $0x1;
	s10 =	sld [smem:$0x3FB4];
	_ =	sdelay $0x3  }
0x37: {  	[smem:$0x3FB4] =	sst s10  }
0x38: {  	s10 =	sld [smem:$0x3FB5]  }
0x39: {  	_ = 	snop;
	(pc) =	sbr.ind lr, $3  }
0x3a: {  	_ = 	snop  }
0x3b: {  	_ = 	snop  }
0x3c: {  	p2 =	seq.s32 s10, $0x1;
	s10 =	sld [smem:$0x3FB4]  }
0x3d: {  	_ =	shalt  }
0x3e: {  	_ =	shalt  }
0x3f: {  	_ =	shalt  }
0x40: {  	_ =	shalt  }
0x41: {  	_ =	shalt  }
0x42: {  	_ =	shalt  }
0x43: {  	_ =	shalt  }
0x44: {  	_ =	shalt  }
0x45: {  	_ =	shalt  }
0x46: {  	_ =	shalt  }
0x47: {  	_ =	shalt  }
0x48: {  	_ =	shalt  }
0x49: {  	_ =	shalt  }
0x4a: {  	_ =	shalt  }
0x4b: {  	_ =	shalt  }
0x4c: {  	_ =	shalt  }
0x4d: {  	_ =	shalt  }
0x4e: {  	_ =	shalt  }
0x4f: {  	_ =	shalt  }
0x50: {  	_ =	shalt  }
0x51: {  	_ =	shalt  }
0x52: {  	_ =	shalt  }
0x53: {  	_ =	shalt  }
0x54: {  	_ =	shalt  }
0x55: {  	_ =	shalt  }
0x56: {  	_ =	shalt  }
0x57: {  	_ =	shalt  }
0x58: {  	_ =	shalt  }
0x59: {  	_ =	shalt  }
0x5a: {  	_ =	shalt  }
0x5b: {  	_ =	shalt  }
0x5c: {  	_ =	shalt  }
0x5d: {  	_ =	shalt  }
0x5e: {  	_ =	shalt  }
0x5f: {  	_ =	shalt  }
0x60: {  	_ =	shalt  }
0x61: {  	_ =	shalt  }
0x62: {  	_ =	shalt  }
0x63: {  	_ =	shalt  }
0x64: {  	_ =	shalt  }
0x65: {  	_ =	shalt  }
0x66: {  	_ =	shalt  }
0x67: {  	_ =	shalt  }
0x68: {  	_ =	shalt  }
0x69: {  	_ =	shalt  }
0x6a: {  	_ =	shalt  }
0x6b: {  	_ =	shalt  }
0x6c: {  	_ =	shalt  }
0x6d: {  	_ =	shalt  }
0x6e: {  	_ =	shalt  }
0x6f: {  	_ =	shalt  }
0x70: {  	_ =	shalt  }
0x71: {  	_ =	shalt  }
0x72: {  	_ =	shalt  }
0x73: {  	_ =	shalt  }
0x74: {  	_ =	shalt  }
0x75: {  	_ =	shalt  }
0x76: {  	_ =	shalt  }
0x77: {  	_ =	shalt  }
0x78: {  	_ =	shalt  }
0x79: {  	_ =	shalt  }
0x7a: {  	_ =	shalt  }
0x7b: {  	_ =	shalt  }
0x7c: {  	_ =	shalt  }
0x7d: {  	_ =	shalt  }
0x7e: {  	_ =	shalt  }
0x7f: {  	_ =	shalt  }
0x80: {  	_ =	shalt  }
0x81: {  	_ =	shalt  }
0x82: {  	_ =	shalt  }
0x83: {  	_ =	shalt  }
0x84: {  	_ =	shalt  }
0x85: {  	_ =	shalt  }
0x86: {  	_ =	shalt  }
0x87: {  	_ =	shalt  }
.Lfunc_end0:
.L_simem_size_0:
called_computation_lowered:
.L_overlay_start_0:
0x88: {  	s2 =	sld [smem:$0x3FD9]  }
0x89: {  	s3 =	sld [smem:$0x3FFE];
	_ =	sdelay $0x1  }
0x8a: {  	s1 =	srdreg.scid  }
0x8b: {  	s0 =	sand.u32 $0x1, s1  }
0x8c: {  	s17 =	sshll.u32 s0, $0xA;
	s2 =	sadd.s32 s3, s2  }
0x8d: {  	s2 =	sadd.s32 s2, s17  }
0x8e: {  	[smem:$0x3FC0] =	sst s2  }
0x8f: {  	_ = 	snop  }
0x90: {  	s2 =	sld [smem:$0x3FD0];
	(tm) =	ssettm $0x1  }
0x91: {  	s18 =	sld [smem:$0x3FFB];
	_ =	sdelay $0x3  }
0x92: {  	_ =	strace s18  }
0x93: {  	s3 =	sld [smem:$0x3FFC];
	_ =	sdelay $0x3  }
0x94: {  	_ =	strace s3  }
0x95: {  	s3 =	sld [smem:$0x3FFD];
	_ =	sdelay $0x3  }
0x96: {  	_ =	strace s3  }
0x97: {  	_ =	strace $0x8FFFFFFF  }
0x98: {  	s19 =	sld [smem:$0x3FDB];
	_ =	sdelay $0x1  }
0x99: {  	s4 =	simm.s32 $_scs_section_size  }
0x9a: {  	s5 =	simm.s32 $_size__tile_overlayer_lowered;
	s6 =	simm.s32 $_tile_overlayer_lowered  }
0x9b: {  	s22 =	simm.s32 $0x1BFF;
	s21 =	sshll.u32 s6, $0x1;
	s3 =	sadd.s32 s4, s19  }
0x9c: {  	s7 =	simm.s32 $0x0;
	s20 =	sshll.u32 s5, $0x1;
	s5 =	sadd.s32 s21, s3  }
0x9d: {  	[timem:s7], [sflag:s22] =	dma.local [hbm:s5], s20  }
0x9e: {  	_ =	swait.ge [sflag:s22], s20  }
0x9f: {  	s4 =	ssub.s32 $0x0, s20;
	[sflag:s22] =	ssyncset.done $0x0  }
0xa0: {  	[sflag:s22] =	ssyncadd.s32 s4;
	_ =	sdelay $0x1  }
0xa1: {  	s23 =	simm.s32 $0x1B8B  }
0xa2: {  	_ =	swait.ge [sflag:s23], $0x1  }
0xa3: {  	[sflag:s23] =	ssyncset.done $0x0  }
0xa4: {  	s25 =	simm.s32 $0x1B8E;
	s24 =	sld [smem:$0x3FFE];
	[sflag:s23] =	ssyncadd.s32 $0xFFFFFFFF  }
0xa5: {  	s26 =	simm.s32 $execute0_lowered;
	[smem:$0x3FD2] =	sst s25  }
0xa6: {  	s5 =	sshll.u32 s26, $0x1;
	_ =	strace $0x80000046;
	[dreg:$0x1] =	wrdreg $0xFFFFFFFF  }
0xa7: {  	s28 =	simm.s32 $_size_execute0_lowered;
	s3 =	sadd.s32 s3, s5;
	[dreg:$0x0] =	wrdreg $0x0  }
0xa8: {  	s5 =	sshll.u32 s28, $0x1;
	[dreg:$0x2] =	wrdreg s3  }
0xa9: {  	[dreg:$0x3] =	wrdreg s5  }
0xaa: {  	[dreg:$0x4] =	wrdreg $0xC0  }
0xab: {  	_ =	task [dreg:s7], $0x5FFFF  }
0xac: {  	[dreg:$0x1] =	wrdreg $0xFFFFFFFF  }
0xad: {  	[dreg:$0x0] =	wrdreg $0x60  }
0xae: {  	[dreg:$0x2] =	wrdreg s2  }
0xaf: {  	[dreg:$0x3] =	wrdreg s24  }
0xb0: {  	[dreg:$0x4] =	wrdreg $0x9  }
0xb1: {  	_ =	task.clear_ibuf [dreg:s7], $0x5FFFF;
	_ =	strace $0x90000046  }
0xb2: {  	s29 =	simm.s32 $0x9;
	_ =	strace $0x80000048  }
0xb3: {  	_ =	swait.ge [sflag:s29], $0x1  }
0xb4: {  	[sflag:s29] =	ssyncadd.s32 $0xFFFFFFFF  }
0xb5: {  	_ =	strace $0x90000048  }
0xb6: {  	_ =	sfence  }
0xb7: {  	s30 =	sld [smem:$0x0];
	_ =	sdelay $0x2  }
0xb8: {  	s31 =	sshll.u32 s1, $0xD;
	s1 =	sshrl.u32 s1, $0x2  }
0xb9: {  	s3 =	sand.u32 $0x4000, s31;
	s1 =	sadd.s32 s1, s30  }
0xba: {  	s0 =	sor.u32 s3, s0;
	s1 =	sshll.u32 s1, $0x11  }
0xbb: {  	s0 =	sor.u32 s1, s0  }
0xbc: {  	s0 =	sadd.s32 $0x8F2B, s0  }
0xbd: {  	[sflag:s0] =	ssyncadd.remote.s32 $0x1  }
0xbe: {  	_ =	sfence.sel $0xFFFF  }
0xbf: {  	[dreg:$0x0] =	wrdreg $0xFFFFFFFF;
	(pc) =	sbr.abs _section_cstart, $3  }
0xc0: {  	[dreg:$0x1] =	wrdreg $0xFFFFFFFF  }
0xc1: {  	_ =	task.clear_ibuf [dreg:s7], $0x2FFFF;
	_ =	strace $0x9FFFFFFF  }
0xc2: {  	(tm) =	ssettm $0x7FFFFFFF  }
0xc3: {  	_ =	shalt  }
tec
execute0_lowered:
.L_overlay_start_1:
0x0: {  	(tag) =	ssettag $0x1  }
0x1: {  	s1 =	srdreg.scid;
	s0 =	stileid.u32  }
0x2: {  	s14 =	sand.u32 $0x1, s1;
	s28 =	sshll.u32 s0, $0x1  }
0x3: {  	s2 =	rddreg [dreg:$0x0];
	s8 =	sor.u32 s14, s28  }
0x4: {  	s9 =	rddreg [dreg:$0x1];
	s13 =	smul.u32 $0x1A0, s8  }
0x5: {  	s3 =	simm.s32 $0x0;
	s1 =	rddreg [dreg:$0x2]  }
0x6: {  	[smem:$0x7FF] =	sst s3;
	s15 =	sadd.s32 $0x2600, s9;
	s4 =	sshrl.u32 s13, $0x3  }
0x7: {  	_ =	strace $0x80000047;
	s5 =	sadd.s32 s15, s4;
	s4 =	simm.s32 $0x2  }
0x8: {  	[tilespmem:s3], [sflag:$0x2] =	stream.linear.gather [hbm4b:s5+s3], $0x68, $0x38;
	[tilespmem:$0x6E8] =	vst v63  }
0x9: {  	_ =	swait.ge [sflag:s4], $0x68  }
0xa: {  	[sflag:s4] =	ssyncset.done $0x0  }
0xb: {  	s6 =	simm.s32 $0x68;
	s7 =	simm.s32 $0x1;
	[sflag:s4] =	ssyncadd.s32 $0xFFFFFF98  }
0xc: {  	[tilespmem:s6], [sflag:$0x1] =	stream.indirect.gather [hbm4b:s2+s6], $0x10, s3, s6, $0xb8;
	[tilespmem:$0x6E8] =	vst v63  }
0xd: {  	s8 =	smul.u32 $0x340, s8;
	_ =	swait.ge [sflag:s7], $0x680  }
0xe: {  	s16 =	sadd.s32 $0x2E00, s9;
	[sflag:s7] =	ssyncset.done $0x0  }
0xf: {  	s8 =	sadd.s32 s16, s8;
	[sflag:s7] =	ssyncadd.s32 $0xFFFFF980  }
0x10: {  	[hbm4b:s8+s3] =	stream.linear.scatter [tilespmem:s6], [sflag:$0x2], $0x680, $0x38;
	[tilespmem:$0x6E8] =	vst v63  }
0x11: {  	s10 =	sadd.s32 $0x68, s13;
	_ =	swait.ge [sflag:s4], $0x680  }
0x12: {  	s29 =	sshrl.u32 s10, $0x3;
	[sflag:s4] =	ssyncset.done $0x0  }
0x13: {  	s9 =	sadd.s32 s15, s29;
	[sflag:s4] =	ssyncadd.s32 $0xFFFFF980  }
0x14: {  	[tilespmem:s3], [sflag:$0x2] =	stream.linear.gather [hbm4b:s9+s3], $0x68, $0x38;
	[tilespmem:$0x6E8] =	vst v63  }
0x15: {  	_ =	swait.ge [sflag:s4], $0x68  }
0x16: {  	[sflag:s4] =	ssyncset.done $0x0  }
0x17: {  	[sflag:s4] =	ssyncadd.s32 $0xFFFFFF98  }
0x18: {  	[tilespmem:s6], [sflag:$0x1] =	stream.indirect.gather [hbm4b:s2+s6], $0x10, s3, s6, $0xb8;
	[tilespmem:$0x6E8] =	vst v63  }
0x19: {  	_ =	swait.ge [sflag:s7], $0x680  }
0x1a: {  	s10 =	sshll.u32 s10, $0x1;
	[sflag:s7] =	ssyncset.done $0x0  }
0x1b: {  	s10 =	sadd.s32 s16, s10;
	[sflag:s7] =	ssyncadd.s32 $0xFFFFF980  }
0x1c: {  	[hbm4b:s10+s3] =	stream.linear.scatter [tilespmem:s6], [sflag:$0x2], $0x680, $0x38;
	[tilespmem:$0x6E8] =	vst v63  }
0x1d: {  	s12 =	sadd.s32 $0xD0, s13;
	_ =	swait.ge [sflag:s4], $0x680  }
0x1e: {  	s11 =	sshrl.u32 s12, $0x3;
	[sflag:s4] =	ssyncset.done $0x0  }
0x1f: {  	s11 =	sadd.s32 s15, s11;
	[sflag:s4] =	ssyncadd.s32 $0xFFFFF980  }
0x20: {  	[tilespmem:s3], [sflag:$0x2] =	stream.linear.gather [hbm4b:s11+s3], $0x68, $0x38;
	[tilespmem:$0x6E8] =	vst v63  }
0x21: {  	_ =	swait.ge [sflag:s4], $0x68  }
0x22: {  	[sflag:s4] =	ssyncset.done $0x0  }
0x23: {  	[sflag:s4] =	ssyncadd.s32 $0xFFFFFF98  }
0x24: {  	[tilespmem:s6], [sflag:$0x1] =	stream.indirect.gather [hbm4b:s2+s6], $0x10, s3, s6, $0xb8;
	[tilespmem:$0x6E8] =	vst v63  }
0x25: {  	_ =	swait.ge [sflag:s7], $0x680  }
0x26: {  	s12 =	sshll.u32 s12, $0x1;
	[sflag:s7] =	ssyncset.done $0x0  }
0x27: {  	s12 =	sadd.s32 s16, s12;
	[sflag:s7] =	ssyncadd.s32 $0xFFFFF980  }
0x28: {  	[hbm4b:s12+s3] =	stream.linear.scatter [tilespmem:s6], [sflag:$0x2], $0x680, $0x38;
	[tilespmem:$0x6E8] =	vst v63  }
0x29: {  	s17 =	sadd.s32 $0x138, s13;
	_ =	swait.ge [sflag:s4], $0x680  }
0x2a: {  	s13 =	sshrl.u32 s17, $0x3;
	[sflag:s4] =	ssyncset.done $0x0  }
0x2b: {  	s14 =	ssub.s32 $0x2, s14;
	s13 =	sadd.s32 s15, s13;
	[sflag:s4] =	ssyncadd.s32 $0xFFFFF980  }
0x2c: {  	[tilespmem:s3], [sflag:$0x2] =	stream.linear.gather [hbm4b:s13+s3], $0x68, $0x38;
	[tilespmem:$0x6E8] =	vst v63  }
0x2d: {  	s30 =	sshrl.u32 s14, $0x1;
	_ =	swait.ge [sflag:s4], $0x68  }
0x2e: {  	s15 =	ssub.s32 s14, s30;
	[sflag:s4] =	ssyncset.done $0x0  }
0x2f: {  	s15 =	smax.u32 s15, $0x1;
	[sflag:s4] =	ssyncadd.s32 $0xFFFFFF98  }
0x30: {  	[tilespmem:s6], [sflag:$0x1] =	stream.indirect.gather [hbm4b:s2+s6], $0x10, s3, s6, $0xb8;
	[tilespmem:$0x6E8] =	vst v63  }
0x31: {  	p0 =	sne.s32 s15, $0x1;
	_ =	swait.ge [sflag:s7], $0x680  }
.Ltmp0:
0x32: {  	s31 =	sshll.u32 s17, $0x1;
	[sflag:s7] =	ssyncset.done $0x0;
	(pc) =	sbr.rel @!p0 .LBB2_2-.Ltmp0, $4  }
0x33: {  	s14 =	sadd.s32 s16, s31;
	[sflag:s7] =	ssyncadd.s32 $0xFFFFF980  }
0x34: {  	[hbm4b:s14+s3] =	stream.linear.scatter [tilespmem:s6], [sflag:$0x2], $0x680, $0x38;
	[tilespmem:$0x6E8] =	vst v63  }
0x35: {  	_ =	swait.ge [sflag:s4], $0x680  }
0x36: {  	s15 =	sadd.s32 $0xFFFFFFFF, s15;
	[sflag:s4] =	ssyncset.done $0x0  }
.LBB2_1:
0x37: {  	p0 =	sne.s32 s15, $0x1;
	s15 =	sadd.s32 $0xFFFFFFFF, s15;
	[sflag:s4] =	ssyncadd.s32 $0xFFFFF980  }
0x38: {  	[tilespmem:s3], [sflag:$0x2] =	stream.linear.gather [hbm4b:s5+s3], $0x68, $0x38;
	[tilespmem:$0x6E8] =	vst v63  }
0x39: {  	_ =	swait.ge [sflag:s4], $0x68  }
0x3a: {  	[sflag:s4] =	ssyncset.done $0x0  }
0x3b: {  	[sflag:s4] =	ssyncadd.s32 $0xFFFFFF98  }
0x3c: {  	[tilespmem:s6], [sflag:$0x1] =	stream.indirect.gather [hbm4b:s2+s6], $0x10, s3, s6, $0xb8;
	[tilespmem:$0x6E8] =	vst v63  }
0x3d: {  	_ =	swait.ge [sflag:s7], $0x680  }
0x3e: {  	[sflag:s7] =	ssyncset.done $0x0  }
0x3f: {  	[sflag:s7] =	ssyncadd.s32 $0xFFFFF980  }
0x40: {  	[hbm4b:s8+s3] =	stream.linear.scatter [tilespmem:s6], [sflag:$0x2], $0x680, $0x38;
	[tilespmem:$0x6E8] =	vst v63  }
0x41: {  	_ =	swait.ge [sflag:s4], $0x680  }
0x42: {  	[sflag:s4] =	ssyncset.done $0x0  }
0x43: {  	[sflag:s4] =	ssyncadd.s32 $0xFFFFF980  }
0x44: {  	[tilespmem:s3], [sflag:$0x2] =	stream.linear.gather [hbm4b:s9+s3], $0x68, $0x38;
	[tilespmem:$0x6E8] =	vst v63  }
0x45: {  	_ =	swait.ge [sflag:s4], $0x68  }
0x46: {  	[sflag:s4] =	ssyncset.done $0x0  }
0x47: {  	[sflag:s4] =	ssyncadd.s32 $0xFFFFFF98  }
0x48: {  	[tilespmem:s6], [sflag:$0x1] =	stream.indirect.gather [hbm4b:s2+s6], $0x10, s3, s6, $0xb8;
	[tilespmem:$0x6E8] =	vst v63  }
0x49: {  	_ =	swait.ge [sflag:s7], $0x680  }
0x4a: {  	[sflag:s7] =	ssyncset.done $0x0  }
0x4b: {  	[sflag:s7] =	ssyncadd.s32 $0xFFFFF980  }
0x4c: {  	[hbm4b:s10+s3] =	stream.linear.scatter [tilespmem:s6], [sflag:$0x2], $0x680, $0x38;
	[tilespmem:$0x6E8] =	vst v63  }
0x4d: {  	_ =	swait.ge [sflag:s4], $0x680  }
0x4e: {  	[sflag:s4] =	ssyncset.done $0x0  }
0x4f: {  	[sflag:s4] =	ssyncadd.s32 $0xFFFFF980  }
0x50: {  	[tilespmem:s3], [sflag:$0x2] =	stream.linear.gather [hbm4b:s11+s3], $0x68, $0x38;
	[tilespmem:$0x6E8] =	vst v63  }
0x51: {  	_ =	swait.ge [sflag:s4], $0x68  }
0x52: {  	[sflag:s4] =	ssyncset.done $0x0  }
0x53: {  	[sflag:s4] =	ssyncadd.s32 $0xFFFFFF98  }
0x54: {  	[tilespmem:s6], [sflag:$0x1] =	stream.indirect.gather [hbm4b:s2+s6], $0x10, s3, s6, $0xb8;
	[tilespmem:$0x6E8] =	vst v63  }
0x55: {  	_ =	swait.ge [sflag:s7], $0x680  }
0x56: {  	[sflag:s7] =	ssyncset.done $0x0  }
0x57: {  	[sflag:s7] =	ssyncadd.s32 $0xFFFFF980  }
0x58: {  	[hbm4b:s12+s3] =	stream.linear.scatter [tilespmem:s6], [sflag:$0x2], $0x680, $0x38;
	[tilespmem:$0x6E8] =	vst v63  }
0x59: {  	_ =	swait.ge [sflag:s4], $0x680  }
0x5a: {  	[sflag:s4] =	ssyncset.done $0x0  }
0x5b: {  	[sflag:s4] =	ssyncadd.s32 $0xFFFFF980  }
0x5c: {  	[tilespmem:s3], [sflag:$0x2] =	stream.linear.gather [hbm4b:s13+s3], $0x68, $0x38;
	[tilespmem:$0x6E8] =	vst v63  }
0x5d: {  	_ =	swait.ge [sflag:s4], $0x68  }
0x5e: {  	[sflag:s4] =	ssyncset.done $0x0  }
0x5f: {  	[sflag:s4] =	ssyncadd.s32 $0xFFFFFF98  }
0x60: {  	[tilespmem:s6], [sflag:$0x1] =	stream.indirect.gather [hbm4b:s2+s6], $0x10, s3, s6, $0xb8;
	[tilespmem:$0x6E8] =	vst v63  }
0x61: {  	_ =	swait.ge [sflag:s7], $0x680  }
.Ltmp1:
0x62: {  	[sflag:s7] =	ssyncset.done $0x0;
	(pc) =	sbr.rel @p0 .LBB2_1-.Ltmp1, $4  }
0x63: {  	[sflag:s7] =	ssyncadd.s32 $0xFFFFF980  }
0x64: {  	[hbm4b:s14+s3] =	stream.linear.scatter [tilespmem:s6], [sflag:$0x2], $0x680, $0x38;
	[tilespmem:$0x6E8] =	vst v63  }
0x65: {  	_ =	swait.ge [sflag:s4], $0x680  }
0x66: {  	[sflag:s4] =	ssyncset.done $0x0  }
.LBB2_2:
0x67: {  	[sflag:s4] =	ssyncadd.s32 $0xFFFFF980  }
0x68: {  	_ =	sfence.sel $0x180000  }
0x69: {  	[bflag:$0x0] =	sbarrier.arrive $0xFFFF  }
0x6a: {  	p0 =	sne.s32 s0, $0x0;
	_ =	strace $0x90000047  }
0x6b: {  	s0 =	sadd.s32 @!p0 $0x100000, s1;
	[bflag:$0x2] =	sbarrier.arrive $0xFFFF  }
0x6c: {  	[sflag:s0] =	ssyncadd.tile.s32 @!p0 $0x1;
	_ =	shalt  }
.Lfunc_end2:
_tile_overlayer_lowered:
.L_overlay_start_2:
0x6d: {  	(tag) =	ssettag $0x2  }
0x6e: {  	s0 =	rddreg [dreg:$0x0];
	s2 =	stileid.u32  }
0x6f: {  	s1 =	rddreg [dreg:$0x1];
	p0 =	sne.s32 s2, $0x0  }
0x70: {  	s3 =	rddreg [dreg:$0x2];
	[bflag:$0x3] =	sbarrier.arrive $0xFFFF;
	s2 =	simm.s32 @!p0 $0x1C02  }
0x71: {  	[timem:s3], [sflag:s2] =	dma.local @!p0 [hbm:s0], s1  }
0x72: {  	s0 =	simm.s32 @!p0 $0x2  }
0x73: {  	_ =	swait.ge @!p0 [sflag:s0], s1  }
0x74: {  	s1 =	ssub.s32 @!p0 $0x0, s1;
	[sflag:s0] =	ssyncset.done @!p0 $0x0  }
0x75: {  	[sflag:s0] =	ssyncadd.s32 @!p0 s1  }
0x76: {  	[bflag:$0x3] =	sbarrier.arrive $0xFFFF  }
0x77: {  	_ =	shalt  }

// kernel: kernel.9.cloned.1.call-start
scs
__scs_entry_jumppad:
0x0: {  	(pc) =	sbr.rel $0x88, $3  }
0x1: {  	(tag) =	ssettag $0x0;
	lr =	simm.s32 $0x1  }
0x2: {  	[smem:$0x3F99] =	sst lr;
	_ =	strace $0xD0000000  }
0x3: {  	_ = 	snop  }
0x4: {  	_ = 	snop  }
0x5: {  	_ = 	snop  }
0x6: {  	_ = 	snop  }
0x7: {  	_ = 	snop  }
__scs_overlays_trampoline_lowered:
0x8: {  	[smem:$0x3FA8] =	sst s0  }
0x9: {  	[smem:$0x3FA9] =	sst s1  }
0xa: {  	[smem:$0x3FAA] =	sst s2  }
0xb: {  	[smem:$0x3FAB] =	sst s3  }
0xc: {  	[smem:$0x3FAC] =	sst s4  }
0xd: {  	[smem:$0x3FAD] =	sst s5  }
0xe: {  	[smem:$0x3FAE] =	sst s6  }
0xf: {  	[smem:$0x3FAF] =	sst s7  }
0x10: {  	[smem:$0x3FB0] =	sst s8  }
0x11: {  	[smem:$0x3FB1] =	sst s9;
	s0 =	simm.s32 @!p0 $0x0  }
0x12: {  	s1 =	sld [smem:$0x3F97];
	s0 =	simm.s32 @p0 $0x1  }
0x13: {  	[smem:$0x3FB2] =	sst s0;
	s0 =	simm.s32 @!p1 $0x0  }
0x14: {  	s2 =	sld [smem:$0x3F96];
	s0 =	simm.s32 @p1 $0x1  }
0x15: {  	[smem:$0x3FB3] =	sst s0;
	s0 =	simm.s32 @!p2 $0x0  }
0x16: {  	s3 =	sld [smem:$0x3FDB];
	s0 =	simm.s32 @p2 $0x1  }
0x17: {  	s4 =	simm.s32 $0x1BF5;
	[smem:$0x3FB5] =	sst s0  }
0x18: {  	s0 =	sld [smem:$0x3F98];
	_ =	swait.ge [sflag:s4], $0x0  }
0x19: {  	s7 =	sld [smem:$0x3F99]  }
0x1a: {  	s8 =	sadd.s32 $0xFFFFE003, lr  }
0x1b: {  	s9 =	sadd.s32 $0xFFFFFEF7, lr;
	s5 =	simm.s32 $0xFFFFFFFF;
	p2 =	slt.u32 s8, $0xFFFFF086  }
0x1c: {  	p1 =	slt.u32 s9, $0xF7A;
	s5 =	simm.s32 @!p2 $0x0  }
0x1d: {  	s5 =	simm.s32 @p1 $0x1;
	p0 =	seq.s32 s7, s2  }
0x1e: {  	s7 =	smul.u32 @!p0 $0xF7A, s2;
	p2 =	seq.s32 @!p0 s5, $0x0  }
0x1f: {  	s9 =	smul.u32 $0xF7A, s1;
	s8 =	simm.s32 @!p0 $0x1BF5;
	p2 =	por !p2, p0  }
0x20: {  	[sflag:s8] =	ssyncset.s32 @!p0 $0xFFFFF086;
	s6 =	sadd.s32 @!p0 s3, s7;
	s7 =	simm.s32 @!p0 $0x108  }
0x21: {  	s3 =	sadd.s32 s3, s9;
	s6 =	sadd.s32 @!p0 $0x88, s6;
	s7 =	simm.s32 @p2 $0x1082  }
0x22: {  	[simem:s7], [sflag:s8] =	dma.local @!p0 [hbm:s6], $0xF7A  }
0x23: {  	s9 =	sor.u32 $0xD0000000, s2;
	s6 =	simm.s32 $0x108;
	_ =	swait.ge @!p0 [sflag:s8], $0x0  }
0x24: {  	s3 =	sadd.s32 $0x88, s3;
	s6 =	simm.s32 @!p1 $0x1082;
	[sflag:s4] =	ssyncset.s32 $0xFFFFF086  }
0x25: {  	[simem:s6], [sflag:s4] =	dma.local [hbm:s3], $0xF7A  }
0x26: {  	[smem:$0x3F99] =	sst s1;
	(tag) =	ssettag s2;
	_ =	strace s9  }
0x27: {  	s1 =	sld [smem:$0x3FA9]  }
0x28: {  	s2 =	sld [smem:$0x3FAA]  }
0x29: {  	s4 =	sld [smem:$0x3FAC]  }
0x2a: {  	p0 =	seq.s32 s5, $0x0;
	s5 =	sld [smem:$0x3FAD]  }
0x2b: {  	s6 =	sld [smem:$0x3FAE]  }
0x2c: {  	s7 =	sld [smem:$0x3FAF]  }
0x2d: {  	s3 =	simm.s32 $0x108;
	s8 =	sld [smem:$0x3FB0]  }
0x2e: {  	s3 =	simm.s32 @!p0 $0x1082;
	s9 =	sld [smem:$0x3FB1]  }
0x2f: {  	lr =	sadd.s32 s0, s3;
	s0 =	sld [smem:$0x3FA8]  }
0x30: {  	s3 =	sld [smem:$0x3FAB]  }
0x31: {  	[smem:$0x3FB4] =	sst s10  }
0x32: {  	s10 =	sld [smem:$0x3FB2];
	_ =	sdelay $0x3  }
0x33: {  	p0 =	seq.s32 s10, $0x1;
	s10 =	sld [smem:$0x3FB4];
	_ =	sdelay $0x3  }
0x34: {  	[smem:$0x3FB4] =	sst s10  }
0x35: {  	s10 =	sld [smem:$0x3FB3];
	_ =	sdelay $0x3  }
0x36: {  	p1 =	seq.s32 s10, $0x1;
	s10 =	sld [smem:$0x3FB4];
	_ =	sdelay $0x3  }
0x37: {  	[smem:$0x3FB4] =	sst s10  }
0x38: {  	s10 =	sld [smem:$0x3FB5]  }
0x39: {  	_ = 	snop;
	(pc) =	sbr.ind lr, $3  }
0x3a: {  	_ = 	snop  }
0x3b: {  	_ = 	snop  }
0x3c: {  	p2 =	seq.s32 s10, $0x1;
	s10 =	sld [smem:$0x3FB4]  }
0x3d: {  	_ =	shalt  }
0x3e: {  	_ =	shalt  }
0x3f: {  	_ =	shalt  }
0x40: {  	_ =	shalt  }
0x41: {  	_ =	shalt  }
0x42: {  	_ =	shalt  }
0x43: {  	_ =	shalt  }
0x44: {  	_ =	shalt  }
0x45: {  	_ =	shalt  }
0x46: {  	_ =	shalt  }
0x47: {  	_ =	shalt  }
0x48: {  	_ =	shalt  }
0x49: {  	_ =	shalt  }
0x4a: {  	_ =	shalt  }
0x4b: {  	_ =	shalt  }
0x4c: {  	_ =	shalt  }
0x4d: {  	_ =	shalt  }
0x4e: {  	_ =	shalt  }
0x4f: {  	_ =	shalt  }
0x50: {  	_ =	shalt  }
0x51: {  	_ =	shalt  }
0x52: {  	_ =	shalt  }
0x53: {  	_ =	shalt  }
0x54: {  	_ =	shalt  }
0x55: {  	_ =	shalt  }
0x56: {  	_ =	shalt  }
0x57: {  	_ =	shalt  }
0x58: {  	_ =	shalt  }
0x59: {  	_ =	shalt  }
0x5a: {  	_ =	shalt  }
0x5b: {  	_ =	shalt  }
0x5c: {  	_ =	shalt  }
0x5d: {  	_ =	shalt  }
0x5e: {  	_ =	shalt  }
0x5f: {  	_ =	shalt  }
0x60: {  	_ =	shalt  }
0x61: {  	_ =	shalt  }
0x62: {  	_ =	shalt  }
0x63: {  	_ =	shalt  }
0x64: {  	_ =	shalt  }
0x65: {  	_ =	shalt  }
0x66: {  	_ =	shalt  }
0x67: {  	_ =	shalt  }
0x68: {  	_ =	shalt  }
0x69: {  	_ =	shalt  }
0x6a: {  	_ =	shalt  }
0x6b: {  	_ =	shalt  }
0x6c: {  	_ =	shalt  }
0x6d: {  	_ =	shalt  }
0x6e: {  	_ =	shalt  }
0x6f: {  	_ =	shalt  }
0x70: {  	_ =	shalt  }
0x71: {  	_ =	shalt  }
0x72: {  	_ =	shalt  }
0x73: {  	_ =	shalt  }
0x74: {  	_ =	shalt  }
0x75: {  	_ =	shalt  }
0x76: {  	_ =	shalt  }
0x77: {  	_ =	shalt  }
0x78: {  	_ =	shalt  }
0x79: {  	_ =	shalt  }
0x7a: {  	_ =	shalt  }
0x7b: {  	_ =	shalt  }
0x7c: {  	_ =	shalt  }
0x7d: {  	_ =	shalt  }
0x7e: {  	_ =	shalt  }
0x7f: {  	_ =	shalt  }
0x80: {  	_ =	shalt  }
0x81: {  	_ =	shalt  }
0x82: {  	_ =	shalt  }
0x83: {  	_ =	shalt  }
0x84: {  	_ =	shalt  }
0x85: {  	_ =	shalt  }
0x86: {  	_ =	shalt  }
0x87: {  	_ =	shalt  }
.Lfunc_end0:
.L_simem_size_0:
called_computation.1_lowered:
.L_overlay_start_0:
0x88: {  	s2 =	sld [smem:$0x3FD9]  }
0x89: {  	s3 =	sld [smem:$0x3FFE];
	_ =	sdelay $0x1  }
0x8a: {  	s1 =	srdreg.scid  }
0x8b: {  	s0 =	sand.u32 $0x1, s1  }
0x8c: {  	s17 =	sshll.u32 s0, $0xA;
	s2 =	sadd.s32 s3, s2  }
0x8d: {  	s2 =	sadd.s32 s2, s17  }
0x8e: {  	[smem:$0x3FC0] =	sst s2  }
0x8f: {  	_ = 	snop  }
0x90: {  	s2 =	sld [smem:$0x3FD0];
	(tm) =	ssettm $0x1  }
0x91: {  	s18 =	sld [smem:$0x3FFB];
	_ =	sdelay $0x3  }
0x92: {  	_ =	strace s18  }
0x93: {  	s3 =	sld [smem:$0x3FFC];
	_ =	sdelay $0x3  }
0x94: {  	_ =	strace s3  }
0x95: {  	s3 =	sld [smem:$0x3FFD];
	_ =	sdelay $0x3  }
0x96: {  	_ =	strace s3  }
0x97: {  	_ =	strace $0x8FFFFFFF  }
0x98: {  	s19 =	sld [smem:$0x3FDB];
	_ =	sdelay $0x1  }
0x99: {  	s4 =	simm.s32 $_scs_section_size  }
0x9a: {  	s5 =	simm.s32 $_size__tile_overlayer_lowered;
	s6 =	simm.s32 $_tile_overlayer_lowered  }
0x9b: {  	s22 =	simm.s32 $0x1BFF;
	s21 =	sshll.u32 s6, $0x1;
	s3 =	sadd.s32 s4, s19  }
0x9c: {  	s7 =	simm.s32 $0x0;
	s20 =	sshll.u32 s5, $0x1;
	s5 =	sadd.s32 s21, s3  }
0x9d: {  	[timem:s7], [sflag:s22] =	dma.local [hbm:s5], s20  }
0x9e: {  	_ =	swait.ge [sflag:s22], s20  }
0x9f: {  	s4 =	ssub.s32 $0x0, s20;
	[sflag:s22] =	ssyncset.done $0x0  }
0xa0: {  	[sflag:s22] =	ssyncadd.s32 s4;
	_ =	sdelay $0x1  }
0xa1: {  	s23 =	simm.s32 $0x1B8B  }
0xa2: {  	_ =	swait.ge [sflag:s23], $0x1  }
0xa3: {  	[sflag:s23] =	ssyncset.done $0x0  }
0xa4: {  	s25 =	simm.s32 $0x1B8E;
	s24 =	sld [smem:$0x3FFE];
	[sflag:s23] =	ssyncadd.s32 $0xFFFFFFFF  }
0xa5: {  	s26 =	simm.s32 $execute0_lowered;
	[smem:$0x3FD2] =	sst s25  }
0xa6: {  	s5 =	sshll.u32 s26, $0x1;
	_ =	strace $0x80000049;
	[dreg:$0x1] =	wrdreg $0xFFFFFFFF  }
0xa7: {  	s28 =	simm.s32 $_size_execute0_lowered;
	s3 =	sadd.s32 s3, s5;
	[dreg:$0x0] =	wrdreg $0x0  }
0xa8: {  	s5 =	sshll.u32 s28, $0x1;
	[dreg:$0x2] =	wrdreg s3  }
0xa9: {  	[dreg:$0x3] =	wrdreg s5  }
0xaa: {  	[dreg:$0x4] =	wrdreg $0xC0  }
0xab: {  	_ =	task [dreg:s7], $0x5FFFF  }
0xac: {  	[dreg:$0x1] =	wrdreg $0xFFFFFFFF  }
0xad: {  	[dreg:$0x0] =	wrdreg $0x60  }
0xae: {  	[dreg:$0x2] =	wrdreg s24  }
0xaf: {  	[dreg:$0x3] =	wrdreg s2  }
0xb0: {  	[dreg:$0x4] =	wrdreg $0x9  }
0xb1: {  	_ =	task.clear_ibuf [dreg:s7], $0x5FFFF;
	_ =	strace $0x90000049  }
0xb2: {  	s29 =	simm.s32 $0x9;
	_ =	strace $0x8000004B  }
0xb3: {  	_ =	swait.ge [sflag:s29], $0x1  }
0xb4: {  	[sflag:s29] =	ssyncadd.s32 $0xFFFFFFFF  }
0xb5: {  	_ =	strace $0x9000004B  }
0xb6: {  	_ =	sfence  }
0xb7: {  	s30 =	sld [smem:$0x0];
	_ =	sdelay $0x2  }
0xb8: {  	s31 =	sshll.u32 s1, $0xD;
	s1 =	sshrl.u32 s1, $0x2  }
0xb9: {  	s3 =	sand.u32 $0x4000, s31;
	s1 =	sadd.s32 s1, s30  }
0xba: {  	s0 =	sor.u32 s3, s0;
	s1 =	sshll.u32 s1, $0x11  }
0xbb: {  	s0 =	sor.u32 s1, s0  }
0xbc: {  	s0 =	sadd.s32 $0x8F2B, s0  }
0xbd: {  	[sflag:s0] =	ssyncadd.remote.s32 $0x1  }
0xbe: {  	_ =	sfence.sel $0xFFFF  }
0xbf: {  	[dreg:$0x0] =	wrdreg $0xFFFFFFFF;
	(pc) =	sbr.abs _section_cstart, $3  }
0xc0: {  	[dreg:$0x1] =	wrdreg $0xFFFFFFFF  }
0xc1: {  	_ =	task.clear_ibuf [dreg:s7], $0x2FFFF;
	_ =	strace $0x9FFFFFFF  }
0xc2: {  	(tm) =	ssettm $0x7FFFFFFF  }
0xc3: {  	_ =	shalt  }
tec
execute0_lowered:
.L_overlay_start_1:
0x0: {  	(tag) =	ssettag $0x1  }
0x1: {  	s1 =	srdreg.scid  }
0x2: {  	s0 =	stileid.u32;
	s5 =	rddreg [dreg:$0x0]  }
0x3: {  	s2 =	rddreg [dreg:$0x1];
	s3 =	simm.s32 $0x0;
	s4 =	smul.u32 $0x3400, s0  }
0x4: {  	s12 =	simm.s32 $0x1;
	s13 =	simm.s32 $0x2;
	s29 =	smul.u32 $0x34000, s0  }
0x5: {  	s6 =	sand.u32 $0x1, s1;
	s1 =	rddreg [dreg:$0x2];
	s9 =	smul.u32 $0x6800, s0  }
0x6: {  	s14 =	simm.s32 $0x0;
	[smem:$0x7FF] =	sst s3;
	s7 =	smul.u32 $0x1A00, s6  }
0x7: {  	_ =	strace $0x8000004A;
	s10 =	smul.u32 $0x3400, s6;
	s11 =	ssub.s32 $0x2, s6  }
0x8: {  	s6 =	smul.u32 $0x1A000, s6;
	s9 =	sadd.s32 s9, s5;
	s30 =	sshrl.u32 s11, $0x1  }
0x9: {  	s4 =	sadd.s32 s7, s4;
	s7 =	sadd.s32 s29, s5;
	s9 =	sadd.s32 s10, s9  }
0xa: {  	s31 =	ssub.s32 s11, s30;
	s10 =	simm.s32 $0x80;
	s11 =	simm.s32 $0x4080  }
0xb: {  	s8 =	sshrl.u32 s4, $0x3;
	s4 =	sadd.s32 $0x6B600, s5;
	s7 =	sadd.s32 s6, s7  }
0xc: {  	s6 =	smax.u32 s31, $0x1;
	s8 =	sadd.s32 s8, s5;
	s5 =	sadd.s32 $0x12F600, s9  }
0xd: {  	s7 =	sadd.s32 $0x197600, s7;
	s9 =	simm.s32 $0x3;
	s8 =	sadd.s32 $0x2600, s8  }
.LBB2_1:
0xe: {  	s15 =	sadd.s32 $0x0, s8  }
0xf: {  	[tilespmem:s3], [sflag:$0x3] =	stream.linear.gather [hbm4b:s15+s3], $0x80, $0x38;
	[tilespmem:$0x4880] =	vst v63  }
0x10: {  	_ =	swait.ge [sflag:s9], $0x80  }
0x11: {  	[sflag:s9] =	ssyncset.done $0x0  }
0x12: {  	[sflag:s9] =	ssyncadd.s32 $0xFFFFFF80  }
0x13: {  	[tilespmem:s10], [sflag:$0x1] =	stream.indirect.gather [hbm4b:s4+s10], $0x80, s3, s10, $0xb8;
	[tilespmem:$0x4880] =	vst v63  }
0x14: {  	_ = 	snop  }
0x15: {  	[tilespmem:s11], [sflag:$0x2] =	stream.indirect.gather [hbm4b:s2+s10], $0x10, s3, s10, $0xb8;
	[tilespmem:$0x4880] =	vst v63  }
0x16: {  	_ =	swait.ge [sflag:s12], $0x4000  }
0x17: {  	[sflag:s12] =	ssyncset.done $0x0  }
0x18: {  	[sflag:s12] =	ssyncadd.s32 $0xFFFFC000  }
0x19: {  	_ =	swait.ge [sflag:s13], $0x800  }
0x1a: {  	[sflag:s13] =	ssyncset.done $0x0  }
0x1b: {  	[sflag:s13] =	ssyncadd.s32 $0xFFFFF800  }
0x1c: {  	[hbm4b:s7+s3] =	stream.linear.scatter [tilespmem:s10], [sflag:$0x3], $0x4000, $0x38;
	[tilespmem:$0x4880] =	vst v63  }
0x1d: {  	_ =	swait.ge [sflag:s9], $0x4000  }
0x1e: {  	[sflag:s9] =	ssyncset.done $0x0  }
0x1f: {  	[sflag:s9] =	ssyncadd.s32 $0xFFFFC000  }
0x20: {  	[hbm4b:s5+s3] =	stream.linear.scatter [tilespmem:s11], [sflag:$0x3], $0x800, $0x38;
	[tilespmem:$0x4880] =	vst v63  }
0x21: {  	s17 =	simm.s32 $0x10;
	s18 =	simm.s32 $0x20;
	_ =	swait.ge [sflag:s9], $0x800  }
0x22: {  	s16 =	sadd.s32 $0x800, s7;
	s15 =	sadd.s32 $0x100, s5;
	[sflag:s9] =	ssyncset.done $0x0  }
.LBB2_2:
0x23: {  	s19 =	sadd.s32 s17, s8  }
0x24: {  	[sflag:s9] =	ssyncadd.s32 $0xFFFFF800;
	s17 =	smov.u32 s18;
	s20 =	sadd.s32 $0x10, s18  }
0x25: {  	[tilespmem:s3], [sflag:$0x3] =	stream.linear.gather [hbm4b:s19+s3], $0x80, $0x38;
	[tilespmem:$0x4880] =	vst v63  }
0x26: {  	p0 =	sne.s32 s18, $0x330;
	_ =	swait.ge [sflag:s9], $0x80  }
0x27: {  	[sflag:s9] =	ssyncset.done $0x0  }
0x28: {  	[sflag:s9] =	ssyncadd.s32 $0xFFFFFF80  }
0x29: {  	[tilespmem:s10], [sflag:$0x1] =	stream.indirect.gather [hbm4b:s4+s10], $0x80, s3, s10, $0xb8;
	[tilespmem:$0x4880] =	vst v63  }
0x2a: {  	_ = 	snop  }
0x2b: {  	[tilespmem:s11], [sflag:$0x2] =	stream.indirect.gather [hbm4b:s2+s10], $0x10, s3, s10, $0xb8;
	[tilespmem:$0x4880] =	vst v63  }
0x2c: {  	_ =	swait.ge [sflag:s12], $0x4000  }
0x2d: {  	[sflag:s12] =	ssyncset.done $0x0  }
0x2e: {  	[sflag:s12] =	ssyncadd.s32 $0xFFFFC000  }
0x2f: {  	_ =	swait.ge [sflag:s13], $0x800  }
0x30: {  	[sflag:s13] =	ssyncset.done $0x0  }
0x31: {  	[sflag:s13] =	ssyncadd.s32 $0xFFFFF800  }
0x32: {  	[hbm4b:s16+s3] =	stream.linear.scatter [tilespmem:s10], [sflag:$0x3], $0x4000, $0x38;
	[tilespmem:$0x4880] =	vst v63  }
0x33: {  	_ =	swait.ge [sflag:s9], $0x4000  }
.Ltmp0:
0x34: {  	[sflag:s9] =	ssyncset.done $0x0;
	(pc) =	sbr.rel @p0 .LBB2_2-.Ltmp0, $4  }
0x35: {  	[sflag:s9] =	ssyncadd.s32 $0xFFFFC000  }
0x36: {  	[hbm4b:s15+s3] =	stream.linear.scatter [tilespmem:s11], [sflag:$0x3], $0x800, $0x38;
	[tilespmem:$0x4880] =	vst v63  }
0x37: {  	s18 =	smov.u32 s20;
	_ =	swait.ge [sflag:s9], $0x800  }
0x38: {  	s16 =	sadd.s32 $0x800, s16;
	s15 =	sadd.s32 $0x100, s15;
	[sflag:s9] =	ssyncset.done $0x0  }
0x39: {  	s17 =	sadd.s32 s17, s8;
	[sflag:s9] =	ssyncadd.s32 $0xFFFFF800  }
0x3a: {  	[tilespmem:s3], [sflag:$0x3] =	stream.linear.gather [hbm4b:s17+s3], $0x80, $0x38;
	[tilespmem:$0x4880] =	vst v63  }
0x3b: {  	_ =	swait.ge [sflag:s9], $0x80  }
0x3c: {  	[sflag:s9] =	ssyncset.done $0x0  }
0x3d: {  	[sflag:s9] =	ssyncadd.s32 $0xFFFFFF80  }
0x3e: {  	[tilespmem:s10], [sflag:$0x1] =	stream.indirect.gather [hbm4b:s4+s10], $0x80, s3, s10, $0xb8;
	[tilespmem:$0x4880] =	vst v63  }
0x3f: {  	_ = 	snop  }
0x40: {  	[tilespmem:s11], [sflag:$0x2] =	stream.indirect.gather [hbm4b:s2+s10], $0x10, s3, s10, $0xb8;
	[tilespmem:$0x4880] =	vst v63  }
0x41: {  	_ =	swait.ge [sflag:s12], $0x4000  }
0x42: {  	[sflag:s12] =	ssyncset.done $0x0  }
0x43: {  	[sflag:s12] =	ssyncadd.s32 $0xFFFFC000  }
0x44: {  	_ =	swait.ge [sflag:s13], $0x800  }
0x45: {  	[sflag:s13] =	ssyncset.done $0x0  }
0x46: {  	[sflag:s13] =	ssyncadd.s32 $0xFFFFF800  }
0x47: {  	[hbm4b:s16+s3] =	stream.linear.scatter [tilespmem:s10], [sflag:$0x3], $0x4000, $0x38;
	[tilespmem:$0x4880] =	vst v63  }
0x48: {  	s14 =	sadd.s32 $0x1, s14;
	_ =	swait.ge [sflag:s9], $0x4000  }
0x49: {  	p0 =	sne.s32 s14, s6;
	[sflag:s9] =	ssyncset.done $0x0  }
.Ltmp1:
0x4a: {  	[sflag:s9] =	ssyncadd.s32 $0xFFFFC000;
	(pc) =	sbr.rel @p0 .LBB2_1-.Ltmp1, $4  }
0x4b: {  	[hbm4b:s15+s3] =	stream.linear.scatter [tilespmem:s11], [sflag:$0x3], $0x800, $0x38;
	[tilespmem:$0x4880] =	vst v63  }
0x4c: {  	_ =	swait.ge [sflag:s9], $0x800  }
0x4d: {  	[sflag:s9] =	ssyncset.done $0x0  }
0x4e: {  	[sflag:s9] =	ssyncadd.s32 $0xFFFFF800  }
0x4f: {  	_ =	sfence.sel $0x180000  }
0x50: {  	[bflag:$0x0] =	sbarrier.arrive $0xFFFF  }
0x51: {  	p0 =	sne.s32 s0, $0x0;
	_ =	strace $0x9000004A  }
0x52: {  	s0 =	sadd.s32 @!p0 $0x100000, s1;
	[bflag:$0x2] =	sbarrier.arrive $0xFFFF  }
0x53: {  	[sflag:s0] =	ssyncadd.tile.s32 @!p0 $0x1;
	_ =	shalt  }
.Lfunc_end2:
_tile_overlayer_lowered:
.L_overlay_start_2:
0x54: {  	(tag) =	ssettag $0x2  }
0x55: {  	s0 =	rddreg [dreg:$0x0];
	s2 =	stileid.u32  }
0x56: {  	s1 =	rddreg [dreg:$0x1];
	p0 =	sne.s32 s2, $0x0  }
0x57: {  	s3 =	rddreg [dreg:$0x2];
	[bflag:$0x3] =	sbarrier.arrive $0xFFFF;
	s2 =	simm.s32 @!p0 $0x1C03  }
0x58: {  	[timem:s3], [sflag:s2] =	dma.local @!p0 [hbm:s0], s1  }
0x59: {  	s0 =	simm.s32 @!p0 $0x3  }
0x5a: {  	_ =	swait.ge @!p0 [sflag:s0], s1  }
0x5b: {  	s1 =	ssub.s32 @!p0 $0x0, s1;
	[sflag:s0] =	ssyncset.done @!p0 $0x0  }
0x5c: {  	[sflag:s0] =	ssyncadd.s32 @!p0 s1  }
0x5d: {  	[bflag:$0x3] =	sbarrier.arrive $0xFFFF  }
0x5e: {  	_ =	shalt  }

</sc_bundles>
